<compile_context>
chip_gen: v7x
topology: tpu7x:2x2x1
jax: 0.10.2.dev20260603
libtpu: 0.0.44.dev20260713+nightly
codegen_flags: <defaults>
</compile_context>

<pallas_src>
import functools

import jax
import jax.numpy as jnp
from jax import lax
from jax.experimental import pallas as pl
from jax.experimental.pallas import tpu as pltpu
from jax.experimental.pallas import tpu_sc as plsc

_B = 16384
_D = 64

_info = plsc.get_sparse_core_info()
_NC = _info.num_cores
_NS = _info.num_subcores
_L = _info.num_lanes
_NW = _NS
_FG = 8
_NFG = _D // _FG
_NBG = _NW // _NFG
_B_PER_W = _B // _NBG
_HALF = _B_PER_W // 2
_UNROLL = 4

_mesh = plsc.VectorSubcoreMesh(core_axis_name="c", subcore_axis_name="s", num_cores=1)


@functools.partial(
    pl.kernel,
    mesh=_mesh,
    out_type=jax.ShapeDtypeStruct((_D, _B), jnp.float32),
    scratch_types=[
        pltpu.VMEM((_B_PER_W,), jnp.int32),
        pltpu.VMEM((2, _D), jnp.float32),
        pltpu.VMEM((_FG, _HALF), jnp.float32),
        pltpu.VMEM((_FG, _HALF), jnp.float32),
        pltpu.SemaphoreType.DMA,
        pltpu.SemaphoreType.DMA,
        pltpu.SemaphoreType.DMA,
    ],
)
def _embed_lookup_t(
    idx_hbm, table_hbm, out_hbm, idx_v, table_v, buf0, buf1, s0, s1, si
):
    wid = lax.axis_index("s")
    fg = wid >> 1
    bg = wid & 1
    cpi = pltpu.async_copy(
        idx_hbm.at[pl.ds(bg * _B_PER_W, _B_PER_W)], idx_v, si
    )
    pltpu.sync_copy(table_hbm, table_v)

    lanes = lax.iota(jnp.int32, _L)
    zeros = lanes * 0
    chunk = (fg >> 1) * _L
    t0c = table_v[0, pl.ds(chunk, _L)]
    t1c = table_v[1, pl.ds(chunk, _L)]
    t0b, dtb = [], []
    for k in range(_FG):
        sel = zeros + ((fg * _FG + k) & (_L - 1))
        t0 = t0c.at[sel].get(mode="promise_in_bounds")
        t1 = t1c.at[sel].get(mode="promise_in_bounds")
        t0b.append(t0)
        dtb.append(t1 - t0)
    cpi.wait()

    def make_body(buf, idx_base, buf_base):
        def body(j, carry):
            for u in range(_UNROLL):
                off = buf_base + j * _UNROLL * _L + u * _L
                lf = idx_v[pl.ds(idx_base + off, _L)].astype(jnp.float32)
                for k in range(_FG):
                    buf[k, pl.ds(off, _L)] = t0b[k] + lf * dtb[k]
            return carry
        return body

    row = pl.ds(fg * _FG, _FG)
    iters = _HALF // (_UNROLL * _L)
    lax.fori_loop(0, iters, make_body(buf0, 0, 0), 0)
    cp0 = pltpu.async_copy(
        buf0, out_hbm.at[row, pl.ds(bg * _B_PER_W, _HALF)], s0
    )
    lax.fori_loop(0, iters, make_body(buf1, _HALF, 0), 0)
    cp1 = pltpu.async_copy(
        buf1, out_hbm.at[row, pl.ds(bg * _B_PER_W + _HALF, _HALF)], s1
    )
    cp0.wait()
    cp1.wait()


def kernel(layer, table):
    return _embed_lookup_t(layer, table).T

# --- scband reference (transcript-rebuilt; emitter-appended) ---
"""Pipeline reference for scband-layer-embedding-40913858462036 (READ-ONLY COPY).

The authoritative reference and input builder live on the scoring server;
editing this copy changes nothing except your own understanding.
"""

import jax, jax.numpy as jnp
import numpy as np

NUM_LAYERS = 2
EMBED_DIM = 64
BATCH = 16384

def setup_inputs(seed: int = 0) -> dict:
    key = jax.random.key(seed)
    k1, k2 = jax.random.split(key)
    layer = jax.random.randint(k1, (BATCH,), 0, NUM_LAYERS, dtype=jnp.int32)
    # nn.Embedding default init: N(0, 1)
    table = jax.random.normal(k2, (NUM_LAYERS, EMBED_DIM), dtype=jnp.float32)
    return {"layer": layer, "table": table}

def reference(layer, table):
    # LayerEmbedding.forward: self.embedding(layer)
    return jnp.take(table, layer, axis=0)

if __name__ == "__main__":
    import jax
    _d = setup_inputs()
    print(jax.jit(kernel)(*tuple(_d.values())))

</pallas_src>

<mosaic_0001>
#map = affine_map<(d0, d1) -> (0)>
#map1 = affine_map<(d0, d1) -> (0, 0)>
module attributes {stable_mosaic.version = 14 : i64} {
  func.func @_embed_lookup_t(%arg0: i32, %arg1: i32, %arg2: memref<16384xi32, #tpu.memory_space<hbm>>, %arg3: memref<2x64xf32, #tpu.memory_space<hbm>>, %arg4: memref<64x16384xf32, #tpu.memory_space<hbm>>, %arg5: memref<8192xi32, #tpu.memory_space<vmem>>, %arg6: memref<2x64xf32, #tpu.memory_space<vmem>>, %arg7: memref<8x4096xf32, #tpu.memory_space<vmem>>, %arg8: memref<8x4096xf32, #tpu.memory_space<vmem>>, %arg9: memref<!tpu.dma_semaphore, #tpu.memory_space<semaphore_mem>>, %arg10: memref<!tpu.dma_semaphore, #tpu.memory_space<semaphore_mem>>, %arg11: memref<!tpu.dma_semaphore, #tpu.memory_space<semaphore_mem>>) attributes {dimension_semantics = [#tpu.dimension_semantics<core_parallel>, #tpu.dimension_semantics<subcore_parallel>], iteration_bounds = array<i64: 1, 16>, scalar_prefetch = 0 : i64, scratch_operands = 7 : i64, tpu.core_type = #tpu.core_type<sc_vector_subcore>, window_params = [{transform_indices = #map}, {transform_indices = #map1}, {transform_indices = #map1}]} {
    %shift_right_arithmetic3A = arith.constant 1 : i32
    %shift_right_arithmetic3A_0 = arith.shrsi %arg1, %shift_right_arithmetic3A : i32
    %and3A = arith.constant 1 : i32
    %and3A_1 = arith.andi %arg1, %and3A : i32
    %mul3A = arith.constant 8192 : i32
    %mul3A_2 = arith.muli %and3A_1, %mul3A : i32
    %dma_start3A = tpu.memref_slice %arg2[%mul3A_2] : memref<16384xi32, #tpu.memory_space<hbm>> -> memref<8192xi32, #tpu.memory_space<hbm>>
    %dma_start3A_3 = tpu.memref_slice %arg2[%mul3A_2] : memref<16384xi32, #tpu.memory_space<hbm>> -> memref<8192xi32, #tpu.memory_space<hbm>>
    tpu.enqueue_dma source(%dma_start3A_3 : memref<8192xi32, #tpu.memory_space<hbm>>) target(%arg5 : memref<8192xi32, #tpu.memory_space<vmem>>) target_semaphore(%arg11 : memref<!tpu.dma_semaphore, #tpu.memory_space<semaphore_mem>>)
    "tpu.region"() ({
      %run_scoped3A = tpu.sem_alloc : memref<!tpu.dma_semaphore, #tpu.memory_space<semaphore_mem>>
      tpu.enqueue_dma source(%arg3 : memref<2x64xf32, #tpu.memory_space<hbm>>) target(%arg6 : memref<2x64xf32, #tpu.memory_space<vmem>>) target_semaphore(%run_scoped3A : memref<!tpu.dma_semaphore, #tpu.memory_space<semaphore_mem>>)
      tpu.wait_dma2 semaphore(%run_scoped3A : memref<!tpu.dma_semaphore, #tpu.memory_space<semaphore_mem>>) src(%arg3 : memref<2x64xf32, #tpu.memory_space<hbm>>) dst(%arg6 : memref<2x64xf32, #tpu.memory_space<vmem>>)
      tpu.yield
    }) : () -> ()
    %iota3A = tpu.iota {dimensions = array<i32: 0>} : vector<16xi32>
    %mul3A_4 = arith.constant 0 : i32
    %mul3A_5 = vector.broadcast %mul3A_4 : i32 to vector<16xi32>
    %mul3A_6 = arith.muli %iota3A, %mul3A_5 : vector<16xi32>
    %shift_right_arithmetic3A_7 = arith.constant 1 : i32
    %shift_right_arithmetic3A_8 = arith.shrsi %shift_right_arithmetic3A_0, %shift_right_arithmetic3A_7 : i32
    %mul3A_9 = arith.constant 16 : i32
    %mul3A_10 = arith.muli %shift_right_arithmetic3A_8, %mul3A_9 : i32
    %get3A = arith.constant 0 : i32
    %get3A_11 = arith.index_cast %get3A : i32 to index
    %get3A_12 = arith.index_cast %mul3A_10 : i32 to index
    %get3A_13 = tpu.vector_load %arg6[%get3A_11, %get3A_12] {strides = array<i32>} : memref<2x64xf32, #tpu.memory_space<vmem>>, vector<1x16xf32>,
    %get3A_14 = vector.shape_cast %get3A_13 : vector<1x16xf32> to vector<16xf32>
    %get3A_15 = arith.constant 1 : i32
    %get3A_16 = arith.index_cast %get3A_15 : i32 to index
    %get3A_17 = arith.index_cast %mul3A_10 : i32 to index
    %get3A_18 = tpu.vector_load %arg6[%get3A_16, %get3A_17] {strides = array<i32>} : memref<2x64xf32, #tpu.memory_space<vmem>>, vector<1x16xf32>,
    %get3A_19 = vector.shape_cast %get3A_18 : vector<1x16xf32> to vector<16xf32>
    %mul3A_20 = arith.constant 8 : i32
    %mul3A_21 = arith.muli %shift_right_arithmetic3A_0, %mul3A_20 : i32
    %add3A = arith.constant 0 : i32
    %add3A_22 = arith.addi %mul3A_21, %add3A : i32
    %and3A_23 = arith.constant 15 : i32
    %and3A_24 = arith.andi %add3A_22, %and3A_23 : i32
    %add3A_25 = vector.broadcast %and3A_24 : i32 to vector<16xi32>
    %add3A_26 = arith.addi %mul3A_6, %add3A_25 : vector<16xi32>
    %lt3A = arith.constant 0 : i32
    %lt3A_27 = vector.broadcast %lt3A : i32 to vector<16xi32>
    %lt3A_28 = arith.cmpi slt, %add3A_26, %lt3A_27 : vector<16xi32>
    %add3A_29 = arith.constant 16 : i32
    %add3A_30 = vector.broadcast %add3A_29 : i32 to vector<16xi32>
    %add3A_31 = arith.addi %add3A_26, %add3A_30 : vector<16xi32>
    %select_n3A = arith.select %lt3A_28, %add3A_31, %add3A_26 : vector<16xi1>, vector<16xi32>
    %broadcast_in_dim3A = vector.shape_cast %select_n3A : vector<16xi32> to vector<16x1xi32>
    %gather3A = vector.shape_cast %broadcast_in_dim3A : vector<16x1xi32> to vector<16xi32>
    %gather3A_32 = tpu.dynamic_gather %get3A_14[%gather3A] in [0] : vector<16xf32>, vector<16xi32> -> vector<16xf32>
    %lt3A_33 = arith.constant 0 : i32
    %lt3A_34 = vector.broadcast %lt3A_33 : i32 to vector<16xi32>
    %lt3A_35 = arith.cmpi slt, %add3A_26, %lt3A_34 : vector<16xi32>
    %add3A_36 = arith.constant 16 : i32
    %add3A_37 = vector.broadcast %add3A_36 : i32 to vector<16xi32>
    %add3A_38 = arith.addi %add3A_26, %add3A_37 : vector<16xi32>
    %select_n3A_39 = arith.select %lt3A_35, %add3A_38, %add3A_26 : vector<16xi1>, vector<16xi32>
    %broadcast_in_dim3A_40 = vector.shape_cast %select_n3A_39 : vector<16xi32> to vector<16x1xi32>
    %gather3A_41 = vector.shape_cast %broadcast_in_dim3A_40 : vector<16x1xi32> to vector<16xi32>
    %gather3A_42 = tpu.dynamic_gather %get3A_19[%gather3A_41] in [0] : vector<16xf32>, vector<16xi32> -> vector<16xf32>
    %sub3A = arith.subf %gather3A_42, %gather3A_32 : vector<16xf32>
    %mul3A_43 = arith.constant 8 : i32
    %mul3A_44 = arith.muli %shift_right_arithmetic3A_0, %mul3A_43 : i32
    %add3A_45 = arith.constant 1 : i32
    %add3A_46 = arith.addi %mul3A_44, %add3A_45 : i32
    %and3A_47 = arith.constant 15 : i32
    %and3A_48 = arith.andi %add3A_46, %and3A_47 : i32
    %add3A_49 = vector.broadcast %and3A_48 : i32 to vector<16xi32>
    %add3A_50 = arith.addi %mul3A_6, %add3A_49 : vector<16xi32>
    %lt3A_51 = arith.constant 0 : i32
    %lt3A_52 = vector.broadcast %lt3A_51 : i32 to vector<16xi32>
    %lt3A_53 = arith.cmpi slt, %add3A_50, %lt3A_52 : vector<16xi32>
    %add3A_54 = arith.constant 16 : i32
    %add3A_55 = vector.broadcast %add3A_54 : i32 to vector<16xi32>
    %add3A_56 = arith.addi %add3A_50, %add3A_55 : vector<16xi32>
    %select_n3A_57 = arith.select %lt3A_53, %add3A_56, %add3A_50 : vector<16xi1>, vector<16xi32>
    %broadcast_in_dim3A_58 = vector.shape_cast %select_n3A_57 : vector<16xi32> to vector<16x1xi32>
    %gather3A_59 = vector.shape_cast %broadcast_in_dim3A_58 : vector<16x1xi32> to vector<16xi32>
    %gather3A_60 = tpu.dynamic_gather %get3A_14[%gather3A_59] in [0] : vector<16xf32>, vector<16xi32> -> vector<16xf32>
    %lt3A_61 = arith.constant 0 : i32
    %lt3A_62 = vector.broadcast %lt3A_61 : i32 to vector<16xi32>
    %lt3A_63 = arith.cmpi slt, %add3A_50, %lt3A_62 : vector<16xi32>
    %add3A_64 = arith.constant 16 : i32
    %add3A_65 = vector.broadcast %add3A_64 : i32 to vector<16xi32>
    %add3A_66 = arith.addi %add3A_50, %add3A_65 : vector<16xi32>
    %select_n3A_67 = arith.select %lt3A_63, %add3A_66, %add3A_50 : vector<16xi1>, vector<16xi32>
    %broadcast_in_dim3A_68 = vector.shape_cast %select_n3A_67 : vector<16xi32> to vector<16x1xi32>
    %gather3A_69 = vector.shape_cast %broadcast_in_dim3A_68 : vector<16x1xi32> to vector<16xi32>
    %gather3A_70 = tpu.dynamic_gather %get3A_19[%gather3A_69] in [0] : vector<16xf32>, vector<16xi32> -> vector<16xf32>
    %sub3A_71 = arith.subf %gather3A_70, %gather3A_60 : vector<16xf32>
    %mul3A_72 = arith.constant 8 : i32
    %mul3A_73 = arith.muli %shift_right_arithmetic3A_0, %mul3A_72 : i32
    %add3A_74 = arith.constant 2 : i32
    %add3A_75 = arith.addi %mul3A_73, %add3A_74 : i32
    %and3A_76 = arith.constant 15 : i32
    %and3A_77 = arith.andi %add3A_75, %and3A_76 : i32
    %add3A_78 = vector.broadcast %and3A_77 : i32 to vector<16xi32>
    %add3A_79 = arith.addi %mul3A_6, %add3A_78 : vector<16xi32>
    %lt3A_80 = arith.constant 0 : i32
    %lt3A_81 = vector.broadcast %lt3A_80 : i32 to vector<16xi32>
    %lt3A_82 = arith.cmpi slt, %add3A_79, %lt3A_81 : vector<16xi32>
    %add3A_83 = arith.constant 16 : i32
    %add3A_84 = vector.broadcast %add3A_83 : i32 to vector<16xi32>
    %add3A_85 = arith.addi %add3A_79, %add3A_84 : vector<16xi32>
    %select_n3A_86 = arith.select %lt3A_82, %add3A_85, %add3A_79 : vector<16xi1>, vector<16xi32>
    %broadcast_in_dim3A_87 = vector.shape_cast %select_n3A_86 : vector<16xi32> to vector<16x1xi32>
    %gather3A_88 = vector.shape_cast %broadcast_in_dim3A_87 : vector<16x1xi32> to vector<16xi32>
    %gather3A_89 = tpu.dynamic_gather %get3A_14[%gather3A_88] in [0] : vector<16xf32>, vector<16xi32> -> vector<16xf32>
    %lt3A_90 = arith.constant 0 : i32
    %lt3A_91 = vector.broadcast %lt3A_90 : i32 to vector<16xi32>
    %lt3A_92 = arith.cmpi slt, %add3A_79, %lt3A_91 : vector<16xi32>
    %add3A_93 = arith.constant 16 : i32
    %add3A_94 = vector.broadcast %add3A_93 : i32 to vector<16xi32>
    %add3A_95 = arith.addi %add3A_79, %add3A_94 : vector<16xi32>
    %select_n3A_96 = arith.select %lt3A_92, %add3A_95, %add3A_79 : vector<16xi1>, vector<16xi32>
    %broadcast_in_dim3A_97 = vector.shape_cast %select_n3A_96 : vector<16xi32> to vector<16x1xi32>
    %gather3A_98 = vector.shape_cast %broadcast_in_dim3A_97 : vector<16x1xi32> to vector<16xi32>
    %gather3A_99 = tpu.dynamic_gather %get3A_19[%gather3A_98] in [0] : vector<16xf32>, vector<16xi32> -> vector<16xf32>
    %sub3A_100 = arith.subf %gather3A_99, %gather3A_89 : vector<16xf32>
    %mul3A_101 = arith.constant 8 : i32
    %mul3A_102 = arith.muli %shift_right_arithmetic3A_0, %mul3A_101 : i32
    %add3A_103 = arith.constant 3 : i32
    %add3A_104 = arith.addi %mul3A_102, %add3A_103 : i32
    %and3A_105 = arith.constant 15 : i32
    %and3A_106 = arith.andi %add3A_104, %and3A_105 : i32
    %add3A_107 = vector.broadcast %and3A_106 : i32 to vector<16xi32>
    %add3A_108 = arith.addi %mul3A_6, %add3A_107 : vector<16xi32>
    %lt3A_109 = arith.constant 0 : i32
    %lt3A_110 = vector.broadcast %lt3A_109 : i32 to vector<16xi32>
    %lt3A_111 = arith.cmpi slt, %add3A_108, %lt3A_110 : vector<16xi32>
    %add3A_112 = arith.constant 16 : i32
    %add3A_113 = vector.broadcast %add3A_112 : i32 to vector<16xi32>
    %add3A_114 = arith.addi %add3A_108, %add3A_113 : vector<16xi32>
    %select_n3A_115 = arith.select %lt3A_111, %add3A_114, %add3A_108 : vector<16xi1>, vector<16xi32>
    %broadcast_in_dim3A_116 = vector.shape_cast %select_n3A_115 : vector<16xi32> to vector<16x1xi32>
    %gather3A_117 = vector.shape_cast %broadcast_in_dim3A_116 : vector<16x1xi32> to vector<16xi32>
    %gather3A_118 = tpu.dynamic_gather %get3A_14[%gather3A_117] in [0] : vector<16xf32>, vector<16xi32> -> vector<16xf32>
    %lt3A_119 = arith.constant 0 : i32
    %lt3A_120 = vector.broadcast %lt3A_119 : i32 to vector<16xi32>
    %lt3A_121 = arith.cmpi slt, %add3A_108, %lt3A_120 : vector<16xi32>
    %add3A_122 = arith.constant 16 : i32
    %add3A_123 = vector.broadcast %add3A_122 : i32 to vector<16xi32>
    %add3A_124 = arith.addi %add3A_108, %add3A_123 : vector<16xi32>
    %select_n3A_125 = arith.select %lt3A_121, %add3A_124, %add3A_108 : vector<16xi1>, vector<16xi32>
    %broadcast_in_dim3A_126 = vector.shape_cast %select_n3A_125 : vector<16xi32> to vector<16x1xi32>
    %gather3A_127 = vector.shape_cast %broadcast_in_dim3A_126 : vector<16x1xi32> to vector<16xi32>
    %gather3A_128 = tpu.dynamic_gather %get3A_19[%gather3A_127] in [0] : vector<16xf32>, vector<16xi32> -> vector<16xf32>
    %sub3A_129 = arith.subf %gather3A_128, %gather3A_118 : vector<16xf32>
    %mul3A_130 = arith.constant 8 : i32
    %mul3A_131 = arith.muli %shift_right_arithmetic3A_0, %mul3A_130 : i32
    %add3A_132 = arith.constant 4 : i32
    %add3A_133 = arith.addi %mul3A_131, %add3A_132 : i32
    %and3A_134 = arith.constant 15 : i32
    %and3A_135 = arith.andi %add3A_133, %and3A_134 : i32
    %add3A_136 = vector.broadcast %and3A_135 : i32 to vector<16xi32>
    %add3A_137 = arith.addi %mul3A_6, %add3A_136 : vector<16xi32>
    %lt3A_138 = arith.constant 0 : i32
    %lt3A_139 = vector.broadcast %lt3A_138 : i32 to vector<16xi32>
    %lt3A_140 = arith.cmpi slt, %add3A_137, %lt3A_139 : vector<16xi32>
    %add3A_141 = arith.constant 16 : i32
    %add3A_142 = vector.broadcast %add3A_141 : i32 to vector<16xi32>
    %add3A_143 = arith.addi %add3A_137, %add3A_142 : vector<16xi32>
    %select_n3A_144 = arith.select %lt3A_140, %add3A_143, %add3A_137 : vector<16xi1>, vector<16xi32>
    %broadcast_in_dim3A_145 = vector.shape_cast %select_n3A_144 : vector<16xi32> to vector<16x1xi32>
    %gather3A_146 = vector.shape_cast %broadcast_in_dim3A_145 : vector<16x1xi32> to vector<16xi32>
    %gather3A_147 = tpu.dynamic_gather %get3A_14[%gather3A_146] in [0] : vector<16xf32>, vector<16xi32> -> vector<16xf32>
    %lt3A_148 = arith.constant 0 : i32
    %lt3A_149 = vector.broadcast %lt3A_148 : i32 to vector<16xi32>
    %lt3A_150 = arith.cmpi slt, %add3A_137, %lt3A_149 : vector<16xi32>
    %add3A_151 = arith.constant 16 : i32
    %add3A_152 = vector.broadcast %add3A_151 : i32 to vector<16xi32>
    %add3A_153 = arith.addi %add3A_137, %add3A_152 : vector<16xi32>
    %select_n3A_154 = arith.select %lt3A_150, %add3A_153, %add3A_137 : vector<16xi1>, vector<16xi32>
    %broadcast_in_dim3A_155 = vector.shape_cast %select_n3A_154 : vector<16xi32> to vector<16x1xi32>
    %gather3A_156 = vector.shape_cast %broadcast_in_dim3A_155 : vector<16x1xi32> to vector<16xi32>
    %gather3A_157 = tpu.dynamic_gather %get3A_19[%gather3A_156] in [0] : vector<16xf32>, vector<16xi32> -> vector<16xf32>
    %sub3A_158 = arith.subf %gather3A_157, %gather3A_147 : vector<16xf32>
    %mul3A_159 = arith.constant 8 : i32
    %mul3A_160 = arith.muli %shift_right_arithmetic3A_0, %mul3A_159 : i32
    %add3A_161 = arith.constant 5 : i32
    %add3A_162 = arith.addi %mul3A_160, %add3A_161 : i32
    %and3A_163 = arith.constant 15 : i32
    %and3A_164 = arith.andi %add3A_162, %and3A_163 : i32
    %add3A_165 = vector.broadcast %and3A_164 : i32 to vector<16xi32>
    %add3A_166 = arith.addi %mul3A_6, %add3A_165 : vector<16xi32>
    %lt3A_167 = arith.constant 0 : i32
    %lt3A_168 = vector.broadcast %lt3A_167 : i32 to vector<16xi32>
    %lt3A_169 = arith.cmpi slt, %add3A_166, %lt3A_168 : vector<16xi32>
    %add3A_170 = arith.constant 16 : i32
    %add3A_171 = vector.broadcast %add3A_170 : i32 to vector<16xi32>
    %add3A_172 = arith.addi %add3A_166, %add3A_171 : vector<16xi32>
    %select_n3A_173 = arith.select %lt3A_169, %add3A_172, %add3A_166 : vector<16xi1>, vector<16xi32>
    %broadcast_in_dim3A_174 = vector.shape_cast %select_n3A_173 : vector<16xi32> to vector<16x1xi32>
    %gather3A_175 = vector.shape_cast %broadcast_in_dim3A_174 : vector<16x1xi32> to vector<16xi32>
    %gather3A_176 = tpu.dynamic_gather %get3A_14[%gather3A_175] in [0] : vector<16xf32>, vector<16xi32> -> vector<16xf32>
    %lt3A_177 = arith.constant 0 : i32
    %lt3A_178 = vector.broadcast %lt3A_177 : i32 to vector<16xi32>
    %lt3A_179 = arith.cmpi slt, %add3A_166, %lt3A_178 : vector<16xi32>
    %add3A_180 = arith.constant 16 : i32
    %add3A_181 = vector.broadcast %add3A_180 : i32 to vector<16xi32>
    %add3A_182 = arith.addi %add3A_166, %add3A_181 : vector<16xi32>
    %select_n3A_183 = arith.select %lt3A_179, %add3A_182, %add3A_166 : vector<16xi1>, vector<16xi32>
    %broadcast_in_dim3A_184 = vector.shape_cast %select_n3A_183 : vector<16xi32> to vector<16x1xi32>
    %gather3A_185 = vector.shape_cast %broadcast_in_dim3A_184 : vector<16x1xi32> to vector<16xi32>
    %gather3A_186 = tpu.dynamic_gather %get3A_19[%gather3A_185] in [0] : vector<16xf32>, vector<16xi32> -> vector<16xf32>
    %sub3A_187 = arith.subf %gather3A_186, %gather3A_176 : vector<16xf32>
    %mul3A_188 = arith.constant 8 : i32
    %mul3A_189 = arith.muli %shift_right_arithmetic3A_0, %mul3A_188 : i32
    %add3A_190 = arith.constant 6 : i32
    %add3A_191 = arith.addi %mul3A_189, %add3A_190 : i32
    %and3A_192 = arith.constant 15 : i32
    %and3A_193 = arith.andi %add3A_191, %and3A_192 : i32
    %add3A_194 = vector.broadcast %and3A_193 : i32 to vector<16xi32>
    %add3A_195 = arith.addi %mul3A_6, %add3A_194 : vector<16xi32>
    %lt3A_196 = arith.constant 0 : i32
    %lt3A_197 = vector.broadcast %lt3A_196 : i32 to vector<16xi32>
    %lt3A_198 = arith.cmpi slt, %add3A_195, %lt3A_197 : vector<16xi32>
    %add3A_199 = arith.constant 16 : i32
    %add3A_200 = vector.broadcast %add3A_199 : i32 to vector<16xi32>
    %add3A_201 = arith.addi %add3A_195, %add3A_200 : vector<16xi32>
    %select_n3A_202 = arith.select %lt3A_198, %add3A_201, %add3A_195 : vector<16xi1>, vector<16xi32>
    %broadcast_in_dim3A_203 = vector.shape_cast %select_n3A_202 : vector<16xi32> to vector<16x1xi32>
    %gather3A_204 = vector.shape_cast %broadcast_in_dim3A_203 : vector<16x1xi32> to vector<16xi32>
    %gather3A_205 = tpu.dynamic_gather %get3A_14[%gather3A_204] in [0] : vector<16xf32>, vector<16xi32> -> vector<16xf32>
    %lt3A_206 = arith.constant 0 : i32
    %lt3A_207 = vector.broadcast %lt3A_206 : i32 to vector<16xi32>
    %lt3A_208 = arith.cmpi slt, %add3A_195, %lt3A_207 : vector<16xi32>
    %add3A_209 = arith.constant 16 : i32
    %add3A_210 = vector.broadcast %add3A_209 : i32 to vector<16xi32>
    %add3A_211 = arith.addi %add3A_195, %add3A_210 : vector<16xi32>
    %select_n3A_212 = arith.select %lt3A_208, %add3A_211, %add3A_195 : vector<16xi1>, vector<16xi32>
    %broadcast_in_dim3A_213 = vector.shape_cast %select_n3A_212 : vector<16xi32> to vector<16x1xi32>
    %gather3A_214 = vector.shape_cast %broadcast_in_dim3A_213 : vector<16x1xi32> to vector<16xi32>
    %gather3A_215 = tpu.dynamic_gather %get3A_19[%gather3A_214] in [0] : vector<16xf32>, vector<16xi32> -> vector<16xf32>
    %sub3A_216 = arith.subf %gather3A_215, %gather3A_205 : vector<16xf32>
    %mul3A_217 = arith.constant 8 : i32
    %mul3A_218 = arith.muli %shift_right_arithmetic3A_0, %mul3A_217 : i32
    %add3A_219 = arith.constant 7 : i32
    %add3A_220 = arith.addi %mul3A_218, %add3A_219 : i32
    %and3A_221 = arith.constant 15 : i32
    %and3A_222 = arith.andi %add3A_220, %and3A_221 : i32
    %add3A_223 = vector.broadcast %and3A_222 : i32 to vector<16xi32>
    %add3A_224 = arith.addi %mul3A_6, %add3A_223 : vector<16xi32>
    %lt3A_225 = arith.constant 0 : i32
    %lt3A_226 = vector.broadcast %lt3A_225 : i32 to vector<16xi32>
    %lt3A_227 = arith.cmpi slt, %add3A_224, %lt3A_226 : vector<16xi32>
    %add3A_228 = arith.constant 16 : i32
    %add3A_229 = vector.broadcast %add3A_228 : i32 to vector<16xi32>
    %add3A_230 = arith.addi %add3A_224, %add3A_229 : vector<16xi32>
    %select_n3A_231 = arith.select %lt3A_227, %add3A_230, %add3A_224 : vector<16xi1>, vector<16xi32>
    %broadcast_in_dim3A_232 = vector.shape_cast %select_n3A_231 : vector<16xi32> to vector<16x1xi32>
    %gather3A_233 = vector.shape_cast %broadcast_in_dim3A_232 : vector<16x1xi32> to vector<16xi32>
    %gather3A_234 = tpu.dynamic_gather %get3A_14[%gather3A_233] in [0] : vector<16xf32>, vector<16xi32> -> vector<16xf32>
    %lt3A_235 = arith.constant 0 : i32
    %lt3A_236 = vector.broadcast %lt3A_235 : i32 to vector<16xi32>
    %lt3A_237 = arith.cmpi slt, %add3A_224, %lt3A_236 : vector<16xi32>
    %add3A_238 = arith.constant 16 : i32
    %add3A_239 = vector.broadcast %add3A_238 : i32 to vector<16xi32>
    %add3A_240 = arith.addi %add3A_224, %add3A_239 : vector<16xi32>
    %select_n3A_241 = arith.select %lt3A_237, %add3A_240, %add3A_224 : vector<16xi1>, vector<16xi32>
    %broadcast_in_dim3A_242 = vector.shape_cast %select_n3A_241 : vector<16xi32> to vector<16x1xi32>
    %gather3A_243 = vector.shape_cast %broadcast_in_dim3A_242 : vector<16x1xi32> to vector<16xi32>
    %gather3A_244 = tpu.dynamic_gather %get3A_19[%gather3A_243] in [0] : vector<16xf32>, vector<16xi32> -> vector<16xf32>
    %sub3A_245 = arith.subf %gather3A_244, %gather3A_234 : vector<16xf32>
    %dma_wait3A = tpu.memref_slice %arg2[%mul3A_2] : memref<16384xi32, #tpu.memory_space<hbm>> -> memref<8192xi32, #tpu.memory_space<hbm>>
    %dma_wait3A_246 = tpu.memref_slice %arg2[%mul3A_2] : memref<16384xi32, #tpu.memory_space<hbm>> -> memref<8192xi32, #tpu.memory_space<hbm>>
    tpu.wait_dma2 semaphore(%arg11 : memref<!tpu.dma_semaphore, #tpu.memory_space<semaphore_mem>>) src(%dma_wait3A_246 : memref<8192xi32, #tpu.memory_space<hbm>>) dst(%arg5 : memref<8192xi32, #tpu.memory_space<vmem>>)
    %mul3A_247 = arith.constant 8 : i32
    %mul3A_248 = arith.muli %shift_right_arithmetic3A_0, %mul3A_247 : i32
    %scan3A = arith.constant 0 : i32
    %scan3A_249 = arith.constant 0 : i32
    %scan3A_250 = arith.constant 64 : i32
    %scan3A_251 = arith.addi %scan3A_249, %scan3A_250 : i32
    %scan3A_252 = arith.constant 1 : i32
    scf.for %scan3A_274 = %scan3A_249 to %scan3A_251 step %scan3A_252  : i32 {
      %mul3A_275 = arith.constant 4 : i32
      %mul3A_276 = arith.muli %scan3A_274, %mul3A_275 : i32
      %mul3A_277 = arith.constant 16 : i32
      %mul3A_278 = arith.muli %mul3A_276, %mul3A_277 : i32
      %add3A_279 = arith.constant 0 : i32
      %add3A_280 = arith.addi %add3A_279, %mul3A_278 : i32
      %add3A_281 = arith.constant 0 : i32
      %add3A_282 = arith.addi %add3A_280, %add3A_281 : i32
      %add3A_283 = arith.constant 0 : i32
      %add3A_284 = arith.addi %add3A_283, %add3A_282 : i32
      %get3A_285 = arith.index_cast %add3A_284 : i32 to index
      %get3A_286 = tpu.vector_load %arg5[%get3A_285] {strides = array<i32>} : memref<8192xi32, #tpu.memory_space<vmem>>, vector<16xi32>,
      %get3A_287 = vector.shape_cast %get3A_286 : vector<16xi32> to vector<16xi32>
      %convert_element_type3A = arith.sitofp %get3A_287 : vector<16xi32> to vector<16xf32>
      %mul3A_288 = arith.mulf %convert_element_type3A, %sub3A : vector<16xf32>
      %add3A_289 = arith.addf %gather3A_32, %mul3A_288 : vector<16xf32>
      %swap3A = arith.constant 0 : i32
      %swap3A_290 = arith.index_cast %swap3A : i32 to index
      %swap3A_291 = arith.index_cast %add3A_282 : i32 to index
      %swap3A_292 = tpu.vector_load %arg7[%swap3A_290, %swap3A_291] {strides = array<i32>} : memref<8x4096xf32, #tpu.memory_space<vmem>>, vector<1x16xf32>,
      %swap3A_293 = vector.shape_cast %swap3A_292 : vector<1x16xf32> to vector<16xf32>
      %swap3A_294 = vector.shape_cast %add3A_289 : vector<16xf32> to vector<1x16xf32>
      tpu.vector_store %arg7[%swap3A_290, %swap3A_291], %swap3A_294 {strides = array<i32>} : memref<8x4096xf32, #tpu.memory_space<vmem>>, vector<1x16xf32>,
      %mul3A_295 = arith.mulf %convert_element_type3A, %sub3A_71 : vector<16xf32>
      %add3A_296 = arith.addf %gather3A_60, %mul3A_295 : vector<16xf32>
      %swap3A_297 = arith.constant 1 : i32
      %swap3A_298 = arith.index_cast %swap3A_297 : i32 to index
      %swap3A_299 = arith.index_cast %add3A_282 : i32 to index
      %swap3A_300 = tpu.vector_load %arg7[%swap3A_298, %swap3A_299] {strides = array<i32>} : memref<8x4096xf32, #tpu.memory_space<vmem>>, vector<1x16xf32>,
      %swap3A_301 = vector.shape_cast %swap3A_300 : vector<1x16xf32> to vector<16xf32>
      %swap3A_302 = vector.shape_cast %add3A_296 : vector<16xf32> to vector<1x16xf32>
      tpu.vector_store %arg7[%swap3A_298, %swap3A_299], %swap3A_302 {strides = array<i32>} : memref<8x4096xf32, #tpu.memory_space<vmem>>, vector<1x16xf32>,
      %mul3A_303 = arith.mulf %convert_element_type3A, %sub3A_100 : vector<16xf32>
      %add3A_304 = arith.addf %gather3A_89, %mul3A_303 : vector<16xf32>
      %swap3A_305 = arith.constant 2 : i32
      %swap3A_306 = arith.index_cast %swap3A_305 : i32 to index
      %swap3A_307 = arith.index_cast %add3A_282 : i32 to index
      %swap3A_308 = tpu.vector_load %arg7[%swap3A_306, %swap3A_307] {strides = array<i32>} : memref<8x4096xf32, #tpu.memory_space<vmem>>, vector<1x16xf32>,
      %swap3A_309 = vector.shape_cast %swap3A_308 : vector<1x16xf32> to vector<16xf32>
      %swap3A_310 = vector.shape_cast %add3A_304 : vector<16xf32> to vector<1x16xf32>
      tpu.vector_store %arg7[%swap3A_306, %swap3A_307], %swap3A_310 {strides = array<i32>} : memref<8x4096xf32, #tpu.memory_space<vmem>>, vector<1x16xf32>,
      %mul3A_311 = arith.mulf %convert_element_type3A, %sub3A_129 : vector<16xf32>
      %add3A_312 = arith.addf %gather3A_118, %mul3A_311 : vector<16xf32>
      %swap3A_313 = arith.constant 3 : i32
      %swap3A_314 = arith.index_cast %swap3A_313 : i32 to index
      %swap3A_315 = arith.index_cast %add3A_282 : i32 to index
      %swap3A_316 = tpu.vector_load %arg7[%swap3A_314, %swap3A_315] {strides = array<i32>} : memref<8x4096xf32, #tpu.memory_space<vmem>>, vector<1x16xf32>,
      %swap3A_317 = vector.shape_cast %swap3A_316 : vector<1x16xf32> to vector<16xf32>
      %swap3A_318 = vector.shape_cast %add3A_312 : vector<16xf32> to vector<1x16xf32>
      tpu.vector_store %arg7[%swap3A_314, %swap3A_315], %swap3A_318 {strides = array<i32>} : memref<8x4096xf32, #tpu.memory_space<vmem>>, vector<1x16xf32>,
      %mul3A_319 = arith.mulf %convert_element_type3A, %sub3A_158 : vector<16xf32>
      %add3A_320 = arith.addf %gather3A_147, %mul3A_319 : vector<16xf32>
      %swap3A_321 = arith.constant 4 : i32
      %swap3A_322 = arith.index_cast %swap3A_321 : i32 to index
      %swap3A_323 = arith.index_cast %add3A_282 : i32 to index
      %swap3A_324 = tpu.vector_load %arg7[%swap3A_322, %swap3A_323] {strides = array<i32>} : memref<8x4096xf32, #tpu.memory_space<vmem>>, vector<1x16xf32>,
      %swap3A_325 = vector.shape_cast %swap3A_324 : vector<1x16xf32> to vector<16xf32>
      %swap3A_326 = vector.shape_cast %add3A_320 : vector<16xf32> to vector<1x16xf32>
      tpu.vector_store %arg7[%swap3A_322, %swap3A_323], %swap3A_326 {strides = array<i32>} : memref<8x4096xf32, #tpu.memory_space<vmem>>, vector<1x16xf32>,
      %mul3A_327 = arith.mulf %convert_element_type3A, %sub3A_187 : vector<16xf32>
      %add3A_328 = arith.addf %gather3A_176, %mul3A_327 : vector<16xf32>
      %swap3A_329 = arith.constant 5 : i32
      %swap3A_330 = arith.index_cast %swap3A_329 : i32 to index
      %swap3A_331 = arith.index_cast %add3A_282 : i32 to index
      %swap3A_332 = tpu.vector_load %arg7[%swap3A_330, %swap3A_331] {strides = array<i32>} : memref<8x4096xf32, #tpu.memory_space<vmem>>, vector<1x16xf32>,
      %swap3A_333 = vector.shape_cast %swap3A_332 : vector<1x16xf32> to vector<16xf32>
      %swap3A_334 = vector.shape_cast %add3A_328 : vector<16xf32> to vector<1x16xf32>
      tpu.vector_store %arg7[%swap3A_330, %swap3A_331], %swap3A_334 {strides = array<i32>} : memref<8x4096xf32, #tpu.memory_space<vmem>>, vector<1x16xf32>,
      %mul3A_335 = arith.mulf %convert_element_type3A, %sub3A_216 : vector<16xf32>
      %add3A_336 = arith.addf %gather3A_205, %mul3A_335 : vector<16xf32>
      %swap3A_337 = arith.constant 6 : i32
      %swap3A_338 = arith.index_cast %swap3A_337 : i32 to index
      %swap3A_339 = arith.index_cast %add3A_282 : i32 to index
      %swap3A_340 = tpu.vector_load %arg7[%swap3A_338, %swap3A_339] {strides = array<i32>} : memref<8x4096xf32, #tpu.memory_space<vmem>>, vector<1x16xf32>,
      %swap3A_341 = vector.shape_cast %swap3A_340 : vector<1x16xf32> to vector<16xf32>
      %swap3A_342 = vector.shape_cast %add3A_336 : vector<16xf32> to vector<1x16xf32>
      tpu.vector_store %arg7[%swap3A_338, %swap3A_339], %swap3A_342 {strides = array<i32>} : memref<8x4096xf32, #tpu.memory_space<vmem>>, vector<1x16xf32>,
      %mul3A_343 = arith.mulf %convert_element_type3A, %sub3A_245 : vector<16xf32>
      %add3A_344 = arith.addf %gather3A_234, %mul3A_343 : vector<16xf32>
      %swap3A_345 = arith.constant 7 : i32
      %swap3A_346 = arith.index_cast %swap3A_345 : i32 to index
      %swap3A_347 = arith.index_cast %add3A_282 : i32 to index
      %swap3A_348 = tpu.vector_load %arg7[%swap3A_346, %swap3A_347] {strides = array<i32>} : memref<8x4096xf32, #tpu.memory_space<vmem>>, vector<1x16xf32>,
      %swap3A_349 = vector.shape_cast %swap3A_348 : vector<1x16xf32> to vector<16xf32>
      %swap3A_350 = vector.shape_cast %add3A_344 : vector<16xf32> to vector<1x16xf32>
      tpu.vector_store %arg7[%swap3A_346, %swap3A_347], %swap3A_350 {strides = array<i32>} : memref<8x4096xf32, #tpu.memory_space<vmem>>, vector<1x16xf32>,
      %mul3A_351 = arith.constant 4 : i32
      %mul3A_352 = arith.muli %scan3A_274, %mul3A_351 : i32
      %mul3A_353 = arith.constant 16 : i32
      %mul3A_354 = arith.muli %mul3A_352, %mul3A_353 : i32
      %add3A_355 = arith.constant 0 : i32
      %add3A_356 = arith.addi %add3A_355, %mul3A_354 : i32
      %add3A_357 = arith.constant 16 : i32
      %add3A_358 = arith.addi %add3A_356, %add3A_357 : i32
      %add3A_359 = arith.constant 0 : i32
      %add3A_360 = arith.addi %add3A_359, %add3A_358 : i32
      %get3A_361 = arith.index_cast %add3A_360 : i32 to index
      %get3A_362 = tpu.vector_load %arg5[%get3A_361] {strides = array<i32>} : memref<8192xi32, #tpu.memory_space<vmem>>, vector<16xi32>,
      %get3A_363 = vector.shape_cast %get3A_362 : vector<16xi32> to vector<16xi32>
      %convert_element_type3A_364 = arith.sitofp %get3A_363 : vector<16xi32> to vector<16xf32>
      %mul3A_365 = arith.mulf %convert_element_type3A_364, %sub3A : vector<16xf32>
      %add3A_366 = arith.addf %gather3A_32, %mul3A_365 : vector<16xf32>
      %swap3A_367 = arith.constant 0 : i32
      %swap3A_368 = arith.index_cast %swap3A_367 : i32 to index
      %swap3A_369 = arith.index_cast %add3A_358 : i32 to index
      %swap3A_370 = tpu.vector_load %arg7[%swap3A_368, %swap3A_369] {strides = array<i32>} : memref<8x4096xf32, #tpu.memory_space<vmem>>, vector<1x16xf32>,
      %swap3A_371 = vector.shape_cast %swap3A_370 : vector<1x16xf32> to vector<16xf32>
      %swap3A_372 = vector.shape_cast %add3A_366 : vector<16xf32> to vector<1x16xf32>
      tpu.vector_store %arg7[%swap3A_368, %swap3A_369], %swap3A_372 {strides = array<i32>} : memref<8x4096xf32, #tpu.memory_space<vmem>>, vector<1x16xf32>,
      %mul3A_373 = arith.mulf %convert_element_type3A_364, %sub3A_71 : vector<16xf32>
      %add3A_374 = arith.addf %gather3A_60, %mul3A_373 : vector<16xf32>
      %swap3A_375 = arith.constant 1 : i32
      %swap3A_376 = arith.index_cast %swap3A_375 : i32 to index
      %swap3A_377 = arith.index_cast %add3A_358 : i32 to index
      %swap3A_378 = tpu.vector_load %arg7[%swap3A_376, %swap3A_377] {strides = array<i32>} : memref<8x4096xf32, #tpu.memory_space<vmem>>, vector<1x16xf32>,
      %swap3A_379 = vector.shape_cast %swap3A_378 : vector<1x16xf32> to vector<16xf32>
      %swap3A_380 = vector.shape_cast %add3A_374 : vector<16xf32> to vector<1x16xf32>
      tpu.vector_store %arg7[%swap3A_376, %swap3A_377], %swap3A_380 {strides = array<i32>} : memref<8x4096xf32, #tpu.memory_space<vmem>>, vector<1x16xf32>,
      %mul3A_381 = arith.mulf %convert_element_type3A_364, %sub3A_100 : vector<16xf32>
      %add3A_382 = arith.addf %gather3A_89, %mul3A_381 : vector<16xf32>
      %swap3A_383 = arith.constant 2 : i32
      %swap3A_384 = arith.index_cast %swap3A_383 : i32 to index
      %swap3A_385 = arith.index_cast %add3A_358 : i32 to index
      %swap3A_386 = tpu.vector_load %arg7[%swap3A_384, %swap3A_385] {strides = array<i32>} : memref<8x4096xf32, #tpu.memory_space<vmem>>, vector<1x16xf32>,
      %swap3A_387 = vector.shape_cast %swap3A_386 : vector<1x16xf32> to vector<16xf32>
      %swap3A_388 = vector.shape_cast %add3A_382 : vector<16xf32> to vector<1x16xf32>
      tpu.vector_store %arg7[%swap3A_384, %swap3A_385], %swap3A_388 {strides = array<i32>} : memref<8x4096xf32, #tpu.memory_space<vmem>>, vector<1x16xf32>,
      %mul3A_389 = arith.mulf %convert_element_type3A_364, %sub3A_129 : vector<16xf32>
      %add3A_390 = arith.addf %gather3A_118, %mul3A_389 : vector<16xf32>
      %swap3A_391 = arith.constant 3 : i32
      %swap3A_392 = arith.index_cast %swap3A_391 : i32 to index
      %swap3A_393 = arith.index_cast %add3A_358 : i32 to index
      %swap3A_394 = tpu.vector_load %arg7[%swap3A_392, %swap3A_393] {strides = array<i32>} : memref<8x4096xf32, #tpu.memory_space<vmem>>, vector<1x16xf32>,
      %swap3A_395 = vector.shape_cast %swap3A_394 : vector<1x16xf32> to vector<16xf32>
      %swap3A_396 = vector.shape_cast %add3A_390 : vector<16xf32> to vector<1x16xf32>
      tpu.vector_store %arg7[%swap3A_392, %swap3A_393], %swap3A_396 {strides = array<i32>} : memref<8x4096xf32, #tpu.memory_space<vmem>>, vector<1x16xf32>,
      %mul3A_397 = arith.mulf %convert_element_type3A_364, %sub3A_158 : vector<16xf32>
      %add3A_398 = arith.addf %gather3A_147, %mul3A_397 : vector<16xf32>
      %swap3A_399 = arith.constant 4 : i32
      %swap3A_400 = arith.index_cast %swap3A_399 : i32 to index
      %swap3A_401 = arith.index_cast %add3A_358 : i32 to index
      %swap3A_402 = tpu.vector_load %arg7[%swap3A_400, %swap3A_401] {strides = array<i32>} : memref<8x4096xf32, #tpu.memory_space<vmem>>, vector<1x16xf32>,
      %swap3A_403 = vector.shape_cast %swap3A_402 : vector<1x16xf32> to vector<16xf32>
      %swap3A_404 = vector.shape_cast %add3A_398 : vector<16xf32> to vector<1x16xf32>
      tpu.vector_store %arg7[%swap3A_400, %swap3A_401], %swap3A_404 {strides = array<i32>} : memref<8x4096xf32, #tpu.memory_space<vmem>>, vector<1x16xf32>,
      %mul3A_405 = arith.mulf %convert_element_type3A_364, %sub3A_187 : vector<16xf32>
      %add3A_406 = arith.addf %gather3A_176, %mul3A_405 : vector<16xf32>
      %swap3A_407 = arith.constant 5 : i32
      %swap3A_408 = arith.index_cast %swap3A_407 : i32 to index
      %swap3A_409 = arith.index_cast %add3A_358 : i32 to index
      %swap3A_410 = tpu.vector_load %arg7[%swap3A_408, %swap3A_409] {strides = array<i32>} : memref<8x4096xf32, #tpu.memory_space<vmem>>, vector<1x16xf32>,
      %swap3A_411 = vector.shape_cast %swap3A_410 : vector<1x16xf32> to vector<16xf32>
      %swap3A_412 = vector.shape_cast %add3A_406 : vector<16xf32> to vector<1x16xf32>
      tpu.vector_store %arg7[%swap3A_408, %swap3A_409], %swap3A_412 {strides = array<i32>} : memref<8x4096xf32, #tpu.memory_space<vmem>>, vector<1x16xf32>,
      %mul3A_413 = arith.mulf %convert_element_type3A_364, %sub3A_216 : vector<16xf32>
      %add3A_414 = arith.addf %gather3A_205, %mul3A_413 : vector<16xf32>
      %swap3A_415 = arith.constant 6 : i32
      %swap3A_416 = arith.index_cast %swap3A_415 : i32 to index
      %swap3A_417 = arith.index_cast %add3A_358 : i32 to index
      %swap3A_418 = tpu.vector_load %arg7[%swap3A_416, %swap3A_417] {strides = array<i32>} : memref<8x4096xf32, #tpu.memory_space<vmem>>, vector<1x16xf32>,
      %swap3A_419 = vector.shape_cast %swap3A_418 : vector<1x16xf32> to vector<16xf32>
      %swap3A_420 = vector.shape_cast %add3A_414 : vector<16xf32> to vector<1x16xf32>
      tpu.vector_store %arg7[%swap3A_416, %swap3A_417], %swap3A_420 {strides = array<i32>} : memref<8x4096xf32, #tpu.memory_space<vmem>>, vector<1x16xf32>,
      %mul3A_421 = arith.mulf %convert_element_type3A_364, %sub3A_245 : vector<16xf32>
      %add3A_422 = arith.addf %gather3A_234, %mul3A_421 : vector<16xf32>
      %swap3A_423 = arith.constant 7 : i32
      %swap3A_424 = arith.index_cast %swap3A_423 : i32 to index
      %swap3A_425 = arith.index_cast %add3A_358 : i32 to index
      %swap3A_426 = tpu.vector_load %arg7[%swap3A_424, %swap3A_425] {strides = array<i32>} : memref<8x4096xf32, #tpu.memory_space<vmem>>, vector<1x16xf32>,
      %swap3A_427 = vector.shape_cast %swap3A_426 : vector<1x16xf32> to vector<16xf32>
      %swap3A_428 = vector.shape_cast %add3A_422 : vector<16xf32> to vector<1x16xf32>
      tpu.vector_store %arg7[%swap3A_424, %swap3A_425], %swap3A_428 {strides = array<i32>} : memref<8x4096xf32, #tpu.memory_space<vmem>>, vector<1x16xf32>,
      %mul3A_429 = arith.constant 4 : i32
      %mul3A_430 = arith.muli %scan3A_274, %mul3A_429 : i32
      %mul3A_431 = arith.constant 16 : i32
      %mul3A_432 = arith.muli %mul3A_430, %mul3A_431 : i32
      %add3A_433 = arith.constant 0 : i32
      %add3A_434 = arith.addi %add3A_433, %mul3A_432 : i32
      %add3A_435 = arith.constant 32 : i32
      %add3A_436 = arith.addi %add3A_434, %add3A_435 : i32
      %add3A_437 = arith.constant 0 : i32
      %add3A_438 = arith.addi %add3A_437, %add3A_436 : i32
      %get3A_439 = arith.index_cast %add3A_438 : i32 to index
      %get3A_440 = tpu.vector_load %arg5[%get3A_439] {strides = array<i32>} : memref<8192xi32, #tpu.memory_space<vmem>>, vector<16xi32>,
      %get3A_441 = vector.shape_cast %get3A_440 : vector<16xi32> to vector<16xi32>
      %convert_element_type3A_442 = arith.sitofp %get3A_441 : vector<16xi32> to vector<16xf32>
      %mul3A_443 = arith.mulf %convert_element_type3A_442, %sub3A : vector<16xf32>
      %add3A_444 = arith.addf %gather3A_32, %mul3A_443 : vector<16xf32>
      %swap3A_445 = arith.constant 0 : i32
      %swap3A_446 = arith.index_cast %swap3A_445 : i32 to index
      %swap3A_447 = arith.index_cast %add3A_436 : i32 to index
      %swap3A_448 = tpu.vector_load %arg7[%swap3A_446, %swap3A_447] {strides = array<i32>} : memref<8x4096xf32, #tpu.memory_space<vmem>>, vector<1x16xf32>,
      %swap3A_449 = vector.shape_cast %swap3A_448 : vector<1x16xf32> to vector<16xf32>
      %swap3A_450 = vector.shape_cast %add3A_444 : vector<16xf32> to vector<1x16xf32>
      tpu.vector_store %arg7[%swap3A_446, %swap3A_447], %swap3A_450 {strides = array<i32>} : memref<8x4096xf32, #tpu.memory_space<vmem>>, vector<1x16xf32>,
      %mul3A_451 = arith.mulf %convert_element_type3A_442, %sub3A_71 : vector<16xf32>
      %add3A_452 = arith.addf %gather3A_60, %mul3A_451 : vector<16xf32>
      %swap3A_453 = arith.constant 1 : i32
      %swap3A_454 = arith.index_cast %swap3A_453 : i32 to index
      %swap3A_455 = arith.index_cast %add3A_436 : i32 to index
      %swap3A_456 = tpu.vector_load %arg7[%swap3A_454, %swap3A_455] {strides = array<i32>} : memref<8x4096xf32, #tpu.memory_space<vmem>>, vector<1x16xf32>,
      %swap3A_457 = vector.shape_cast %swap3A_456 : vector<1x16xf32> to vector<16xf32>
      %swap3A_458 = vector.shape_cast %add3A_452 : vector<16xf32> to vector<1x16xf32>
      tpu.vector_store %arg7[%swap3A_454, %swap3A_455], %swap3A_458 {strides = array<i32>} : memref<8x4096xf32, #tpu.memory_space<vmem>>, vector<1x16xf32>,
      %mul3A_459 = arith.mulf %convert_element_type3A_442, %sub3A_100 : vector<16xf32>
      %add3A_460 = arith.addf %gather3A_89, %mul3A_459 : vector<16xf32>
      %swap3A_461 = arith.constant 2 : i32
      %swap3A_462 = arith.index_cast %swap3A_461 : i32 to index
      %swap3A_463 = arith.index_cast %add3A_436 : i32 to index
      %swap3A_464 = tpu.vector_load %arg7[%swap3A_462, %swap3A_463] {strides = array<i32>} : memref<8x4096xf32, #tpu.memory_space<vmem>>, vector<1x16xf32>,
      %swap3A_465 = vector.shape_cast %swap3A_464 : vector<1x16xf32> to vector<16xf32>
      %swap3A_466 = vector.shape_cast %add3A_460 : vector<16xf32> to vector<1x16xf32>
      tpu.vector_store %arg7[%swap3A_462, %swap3A_463], %swap3A_466 {strides = array<i32>} : memref<8x4096xf32, #tpu.memory_space<vmem>>, vector<1x16xf32>,
      %mul3A_467 = arith.mulf %convert_element_type3A_442, %sub3A_129 : vector<16xf32>
      %add3A_468 = arith.addf %gather3A_118, %mul3A_467 : vector<16xf32>
      %swap3A_469 = arith.constant 3 : i32
      %swap3A_470 = arith.index_cast %swap3A_469 : i32 to index
      %swap3A_471 = arith.index_cast %add3A_436 : i32 to index
      %swap3A_472 = tpu.vector_load %arg7[%swap3A_470, %swap3A_471] {strides = array<i32>} : memref<8x4096xf32, #tpu.memory_space<vmem>>, vector<1x16xf32>,
      %swap3A_473 = vector.shape_cast %swap3A_472 : vector<1x16xf32> to vector<16xf32>
      %swap3A_474 = vector.shape_cast %add3A_468 : vector<16xf32> to vector<1x16xf32>
      tpu.vector_store %arg7[%swap3A_470, %swap3A_471], %swap3A_474 {strides = array<i32>} : memref<8x4096xf32, #tpu.memory_space<vmem>>, vector<1x16xf32>,
      %mul3A_475 = arith.mulf %convert_element_type3A_442, %sub3A_158 : vector<16xf32>
      %add3A_476 = arith.addf %gather3A_147, %mul3A_475 : vector<16xf32>
      %swap3A_477 = arith.constant 4 : i32
      %swap3A_478 = arith.index_cast %swap3A_477 : i32 to index
      %swap3A_479 = arith.index_cast %add3A_436 : i32 to index
      %swap3A_480 = tpu.vector_load %arg7[%swap3A_478, %swap3A_479] {strides = array<i32>} : memref<8x4096xf32, #tpu.memory_space<vmem>>, vector<1x16xf32>,
      %swap3A_481 = vector.shape_cast %swap3A_480 : vector<1x16xf32> to vector<16xf32>
      %swap3A_482 = vector.shape_cast %add3A_476 : vector<16xf32> to vector<1x16xf32>
      tpu.vector_store %arg7[%swap3A_478, %swap3A_479], %swap3A_482 {strides = array<i32>} : memref<8x4096xf32, #tpu.memory_space<vmem>>, vector<1x16xf32>,
      %mul3A_483 = arith.mulf %convert_element_type3A_442, %sub3A_187 : vector<16xf32>
      %add3A_484 = arith.addf %gather3A_176, %mul3A_483 : vector<16xf32>
      %swap3A_485 = arith.constant 5 : i32
      %swap3A_486 = arith.index_cast %swap3A_485 : i32 to index
      %swap3A_487 = arith.index_cast %add3A_436 : i32 to index
      %swap3A_488 = tpu.vector_load %arg7[%swap3A_486, %swap3A_487] {strides = array<i32>} : memref<8x4096xf32, #tpu.memory_space<vmem>>, vector<1x16xf32>,
      %swap3A_489 = vector.shape_cast %swap3A_488 : vector<1x16xf32> to vector<16xf32>
      %swap3A_490 = vector.shape_cast %add3A_484 : vector<16xf32> to vector<1x16xf32>
      tpu.vector_store %arg7[%swap3A_486, %swap3A_487], %swap3A_490 {strides = array<i32>} : memref<8x4096xf32, #tpu.memory_space<vmem>>, vector<1x16xf32>,
      %mul3A_491 = arith.mulf %convert_element_type3A_442, %sub3A_216 : vector<16xf32>
      %add3A_492 = arith.addf %gather3A_205, %mul3A_491 : vector<16xf32>
      %swap3A_493 = arith.constant 6 : i32
      %swap3A_494 = arith.index_cast %swap3A_493 : i32 to index
      %swap3A_495 = arith.index_cast %add3A_436 : i32 to index
      %swap3A_496 = tpu.vector_load %arg7[%swap3A_494, %swap3A_495] {strides = array<i32>} : memref<8x4096xf32, #tpu.memory_space<vmem>>, vector<1x16xf32>,
      %swap3A_497 = vector.shape_cast %swap3A_496 : vector<1x16xf32> to vector<16xf32>
      %swap3A_498 = vector.shape_cast %add3A_492 : vector<16xf32> to vector<1x16xf32>
      tpu.vector_store %arg7[%swap3A_494, %swap3A_495], %swap3A_498 {strides = array<i32>} : memref<8x4096xf32, #tpu.memory_space<vmem>>, vector<1x16xf32>,
      %mul3A_499 = arith.mulf %convert_element_type3A_442, %sub3A_245 : vector<16xf32>
      %add3A_500 = arith.addf %gather3A_234, %mul3A_499 : vector<16xf32>
      %swap3A_501 = arith.constant 7 : i32
      %swap3A_502 = arith.index_cast %swap3A_501 : i32 to index
      %swap3A_503 = arith.index_cast %add3A_436 : i32 to index
      %swap3A_504 = tpu.vector_load %arg7[%swap3A_502, %swap3A_503] {strides = array<i32>} : memref<8x4096xf32, #tpu.memory_space<vmem>>, vector<1x16xf32>,
      %swap3A_505 = vector.shape_cast %swap3A_504 : vector<1x16xf32> to vector<16xf32>
      %swap3A_506 = vector.shape_cast %add3A_500 : vector<16xf32> to vector<1x16xf32>
      tpu.vector_store %arg7[%swap3A_502, %swap3A_503], %swap3A_506 {strides = array<i32>} : memref<8x4096xf32, #tpu.memory_space<vmem>>, vector<1x16xf32>,
      %mul3A_507 = arith.constant 4 : i32
      %mul3A_508 = arith.muli %scan3A_274, %mul3A_507 : i32
      %mul3A_509 = arith.constant 16 : i32
      %mul3A_510 = arith.muli %mul3A_508, %mul3A_509 : i32
      %add3A_511 = arith.constant 0 : i32
      %add3A_512 = arith.addi %add3A_511, %mul3A_510 : i32
      %add3A_513 = arith.constant 48 : i32
      %add3A_514 = arith.addi %add3A_512, %add3A_513 : i32
      %add3A_515 = arith.constant 0 : i32
      %add3A_516 = arith.addi %add3A_515, %add3A_514 : i32
      %get3A_517 = arith.index_cast %add3A_516 : i32 to index
      %get3A_518 = tpu.vector_load %arg5[%get3A_517] {strides = array<i32>} : memref<8192xi32, #tpu.memory_space<vmem>>, vector<16xi32>,
      %get3A_519 = vector.shape_cast %get3A_518 : vector<16xi32> to vector<16xi32>
      %convert_element_type3A_520 = arith.sitofp %get3A_519 : vector<16xi32> to vector<16xf32>
      %mul3A_521 = arith.mulf %convert_element_type3A_520, %sub3A : vector<16xf32>
      %add3A_522 = arith.addf %gather3A_32, %mul3A_521 : vector<16xf32>
      %swap3A_523 = arith.constant 0 : i32
      %swap3A_524 = arith.index_cast %swap3A_523 : i32 to index
      %swap3A_525 = arith.index_cast %add3A_514 : i32 to index
      %swap3A_526 = tpu.vector_load %arg7[%swap3A_524, %swap3A_525] {strides = array<i32>} : memref<8x4096xf32, #tpu.memory_space<vmem>>, vector<1x16xf32>,
      %swap3A_527 = vector.shape_cast %swap3A_526 : vector<1x16xf32> to vector<16xf32>
      %swap3A_528 = vector.shape_cast %add3A_522 : vector<16xf32> to vector<1x16xf32>
      tpu.vector_store %arg7[%swap3A_524, %swap3A_525], %swap3A_528 {strides = array<i32>} : memref<8x4096xf32, #tpu.memory_space<vmem>>, vector<1x16xf32>,
      %mul3A_529 = arith.mulf %convert_element_type3A_520, %sub3A_71 : vector<16xf32>
      %add3A_530 = arith.addf %gather3A_60, %mul3A_529 : vector<16xf32>
      %swap3A_531 = arith.constant 1 : i32
      %swap3A_532 = arith.index_cast %swap3A_531 : i32 to index
      %swap3A_533 = arith.index_cast %add3A_514 : i32 to index
      %swap3A_534 = tpu.vector_load %arg7[%swap3A_532, %swap3A_533] {strides = array<i32>} : memref<8x4096xf32, #tpu.memory_space<vmem>>, vector<1x16xf32>,
      %swap3A_535 = vector.shape_cast %swap3A_534 : vector<1x16xf32> to vector<16xf32>
      %swap3A_536 = vector.shape_cast %add3A_530 : vector<16xf32> to vector<1x16xf32>
      tpu.vector_store %arg7[%swap3A_532, %swap3A_533], %swap3A_536 {strides = array<i32>} : memref<8x4096xf32, #tpu.memory_space<vmem>>, vector<1x16xf32>,
      %mul3A_537 = arith.mulf %convert_element_type3A_520, %sub3A_100 : vector<16xf32>
      %add3A_538 = arith.addf %gather3A_89, %mul3A_537 : vector<16xf32>
      %swap3A_539 = arith.constant 2 : i32
      %swap3A_540 = arith.index_cast %swap3A_539 : i32 to index
      %swap3A_541 = arith.index_cast %add3A_514 : i32 to index
      %swap3A_542 = tpu.vector_load %arg7[%swap3A_540, %swap3A_541] {strides = array<i32>} : memref<8x4096xf32, #tpu.memory_space<vmem>>, vector<1x16xf32>,
      %swap3A_543 = vector.shape_cast %swap3A_542 : vector<1x16xf32> to vector<16xf32>
      %swap3A_544 = vector.shape_cast %add3A_538 : vector<16xf32> to vector<1x16xf32>
      tpu.vector_store %arg7[%swap3A_540, %swap3A_541], %swap3A_544 {strides = array<i32>} : memref<8x4096xf32, #tpu.memory_space<vmem>>, vector<1x16xf32>,
      %mul3A_545 = arith.mulf %convert_element_type3A_520, %sub3A_129 : vector<16xf32>
      %add3A_546 = arith.addf %gather3A_118, %mul3A_545 : vector<16xf32>
      %swap3A_547 = arith.constant 3 : i32
      %swap3A_548 = arith.index_cast %swap3A_547 : i32 to index
      %swap3A_549 = arith.index_cast %add3A_514 : i32 to index
      %swap3A_550 = tpu.vector_load %arg7[%swap3A_548, %swap3A_549] {strides = array<i32>} : memref<8x4096xf32, #tpu.memory_space<vmem>>, vector<1x16xf32>,
      %swap3A_551 = vector.shape_cast %swap3A_550 : vector<1x16xf32> to vector<16xf32>
      %swap3A_552 = vector.shape_cast %add3A_546 : vector<16xf32> to vector<1x16xf32>
      tpu.vector_store %arg7[%swap3A_548, %swap3A_549], %swap3A_552 {strides = array<i32>} : memref<8x4096xf32, #tpu.memory_space<vmem>>, vector<1x16xf32>,
      %mul3A_553 = arith.mulf %convert_element_type3A_520, %sub3A_158 : vector<16xf32>
      %add3A_554 = arith.addf %gather3A_147, %mul3A_553 : vector<16xf32>
      %swap3A_555 = arith.constant 4 : i32
      %swap3A_556 = arith.index_cast %swap3A_555 : i32 to index
      %swap3A_557 = arith.index_cast %add3A_514 : i32 to index
      %swap3A_558 = tpu.vector_load %arg7[%swap3A_556, %swap3A_557] {strides = array<i32>} : memref<8x4096xf32, #tpu.memory_space<vmem>>, vector<1x16xf32>,
      %swap3A_559 = vector.shape_cast %swap3A_558 : vector<1x16xf32> to vector<16xf32>
      %swap3A_560 = vector.shape_cast %add3A_554 : vector<16xf32> to vector<1x16xf32>
      tpu.vector_store %arg7[%swap3A_556, %swap3A_557], %swap3A_560 {strides = array<i32>} : memref<8x4096xf32, #tpu.memory_space<vmem>>, vector<1x16xf32>,
      %mul3A_561 = arith.mulf %convert_element_type3A_520, %sub3A_187 : vector<16xf32>
      %add3A_562 = arith.addf %gather3A_176, %mul3A_561 : vector<16xf32>
      %swap3A_563 = arith.constant 5 : i32
      %swap3A_564 = arith.index_cast %swap3A_563 : i32 to index
      %swap3A_565 = arith.index_cast %add3A_514 : i32 to index
      %swap3A_566 = tpu.vector_load %arg7[%swap3A_564, %swap3A_565] {strides = array<i32>} : memref<8x4096xf32, #tpu.memory_space<vmem>>, vector<1x16xf32>,
      %swap3A_567 = vector.shape_cast %swap3A_566 : vector<1x16xf32> to vector<16xf32>
      %swap3A_568 = vector.shape_cast %add3A_562 : vector<16xf32> to vector<1x16xf32>
      tpu.vector_store %arg7[%swap3A_564, %swap3A_565], %swap3A_568 {strides = array<i32>} : memref<8x4096xf32, #tpu.memory_space<vmem>>, vector<1x16xf32>,
      %mul3A_569 = arith.mulf %convert_element_type3A_520, %sub3A_216 : vector<16xf32>
      %add3A_570 = arith.addf %gather3A_205, %mul3A_569 : vector<16xf32>
      %swap3A_571 = arith.constant 6 : i32
      %swap3A_572 = arith.index_cast %swap3A_571 : i32 to index
      %swap3A_573 = arith.index_cast %add3A_514 : i32 to index
      %swap3A_574 = tpu.vector_load %arg7[%swap3A_572, %swap3A_573] {strides = array<i32>} : memref<8x4096xf32, #tpu.memory_space<vmem>>, vector<1x16xf32>,
      %swap3A_575 = vector.shape_cast %swap3A_574 : vector<1x16xf32> to vector<16xf32>
      %swap3A_576 = vector.shape_cast %add3A_570 : vector<16xf32> to vector<1x16xf32>
      tpu.vector_store %arg7[%swap3A_572, %swap3A_573], %swap3A_576 {strides = array<i32>} : memref<8x4096xf32, #tpu.memory_space<vmem>>, vector<1x16xf32>,
      %mul3A_577 = arith.mulf %convert_element_type3A_520, %sub3A_245 : vector<16xf32>
      %add3A_578 = arith.addf %gather3A_234, %mul3A_577 : vector<16xf32>
      %swap3A_579 = arith.constant 7 : i32
      %swap3A_580 = arith.index_cast %swap3A_579 : i32 to index
      %swap3A_581 = arith.index_cast %add3A_514 : i32 to index
      %swap3A_582 = tpu.vector_load %arg7[%swap3A_580, %swap3A_581] {strides = array<i32>} : memref<8x4096xf32, #tpu.memory_space<vmem>>, vector<1x16xf32>,
      %swap3A_583 = vector.shape_cast %swap3A_582 : vector<1x16xf32> to vector<16xf32>
      %swap3A_584 = vector.shape_cast %add3A_578 : vector<16xf32> to vector<1x16xf32>
      tpu.vector_store %arg7[%swap3A_580, %swap3A_581], %swap3A_584 {strides = array<i32>} : memref<8x4096xf32, #tpu.memory_space<vmem>>, vector<1x16xf32>,
    }
    %scan3A_253 = arith.constant 64 : i32
    %mul3A_254 = arith.constant 8192 : i32
    %mul3A_255 = arith.muli %and3A_1, %mul3A_254 : i32
    %dma_start3A_256 = tpu.memref_slice %arg4[%mul3A_248, %mul3A_255] : memref<64x16384xf32, #tpu.memory_space<hbm>> -> memref<8x4096xf32, #tpu.memory_space<hbm>>
    %dma_start3A_257 = tpu.memref_slice %arg4[%mul3A_248, %mul3A_255] : memref<64x16384xf32, #tpu.memory_space<hbm>> -> memref<8x4096xf32, #tpu.memory_space<hbm>>
    tpu.enqueue_dma source(%arg7 : memref<8x4096xf32, #tpu.memory_space<vmem>>) target(%dma_start3A_257 : memref<8x4096xf32, #tpu.memory_space<hbm>>) target_semaphore(%arg9 : memref<!tpu.dma_semaphore, #tpu.memory_space<semaphore_mem>>)
    %scan3A_258 = arith.constant 0 : i32
    %scan3A_259 = arith.constant 0 : i32
    %scan3A_260 = arith.constant 64 : i32
    %scan3A_261 = arith.addi %scan3A_259, %scan3A_260 : i32
    %scan3A_262 = arith.constant 1 : i32
    scf.for %scan3A_274 = %scan3A_259 to %scan3A_261 step %scan3A_262  : i32 {
      %mul3A_275 = arith.constant 4 : i32
      %mul3A_276 = arith.muli %scan3A_274, %mul3A_275 : i32
      %mul3A_277 = arith.constant 16 : i32
      %mul3A_278 = arith.muli %mul3A_276, %mul3A_277 : i32
      %add3A_279 = arith.constant 0 : i32
      %add3A_280 = arith.addi %add3A_279, %mul3A_278 : i32
      %add3A_281 = arith.constant 0 : i32
      %add3A_282 = arith.addi %add3A_280, %add3A_281 : i32
      %add3A_283 = arith.constant 4096 : i32
      %add3A_284 = arith.addi %add3A_283, %add3A_282 : i32
      %get3A_285 = arith.index_cast %add3A_284 : i32 to index
      %get3A_286 = tpu.vector_load %arg5[%get3A_285] {strides = array<i32>} : memref<8192xi32, #tpu.memory_space<vmem>>, vector<16xi32>,
      %get3A_287 = vector.shape_cast %get3A_286 : vector<16xi32> to vector<16xi32>
      %convert_element_type3A = arith.sitofp %get3A_287 : vector<16xi32> to vector<16xf32>
      %mul3A_288 = arith.mulf %convert_element_type3A, %sub3A : vector<16xf32>
      %add3A_289 = arith.addf %gather3A_32, %mul3A_288 : vector<16xf32>
      %swap3A = arith.constant 0 : i32
      %swap3A_290 = arith.index_cast %swap3A : i32 to index
      %swap3A_291 = arith.index_cast %add3A_282 : i32 to index
      %swap3A_292 = tpu.vector_load %arg8[%swap3A_290, %swap3A_291] {strides = array<i32>} : memref<8x4096xf32, #tpu.memory_space<vmem>>, vector<1x16xf32>,
      %swap3A_293 = vector.shape_cast %swap3A_292 : vector<1x16xf32> to vector<16xf32>
      %swap3A_294 = vector.shape_cast %add3A_289 : vector<16xf32> to vector<1x16xf32>
      tpu.vector_store %arg8[%swap3A_290, %swap3A_291], %swap3A_294 {strides = array<i32>} : memref<8x4096xf32, #tpu.memory_space<vmem>>, vector<1x16xf32>,
      %mul3A_295 = arith.mulf %convert_element_type3A, %sub3A_71 : vector<16xf32>
      %add3A_296 = arith.addf %gather3A_60, %mul3A_295 : vector<16xf32>
      %swap3A_297 = arith.constant 1 : i32
      %swap3A_298 = arith.index_cast %swap3A_297 : i32 to index
      %swap3A_299 = arith.index_cast %add3A_282 : i32 to index
      %swap3A_300 = tpu.vector_load %arg8[%swap3A_298, %swap3A_299] {strides = array<i32>} : memref<8x4096xf32, #tpu.memory_space<vmem>>, vector<1x16xf32>,
      %swap3A_301 = vector.shape_cast %swap3A_300 : vector<1x16xf32> to vector<16xf32>
      %swap3A_302 = vector.shape_cast %add3A_296 : vector<16xf32> to vector<1x16xf32>
      tpu.vector_store %arg8[%swap3A_298, %swap3A_299], %swap3A_302 {strides = array<i32>} : memref<8x4096xf32, #tpu.memory_space<vmem>>, vector<1x16xf32>,
      %mul3A_303 = arith.mulf %convert_element_type3A, %sub3A_100 : vector<16xf32>
      %add3A_304 = arith.addf %gather3A_89, %mul3A_303 : vector<16xf32>
      %swap3A_305 = arith.constant 2 : i32
      %swap3A_306 = arith.index_cast %swap3A_305 : i32 to index
      %swap3A_307 = arith.index_cast %add3A_282 : i32 to index
      %swap3A_308 = tpu.vector_load %arg8[%swap3A_306, %swap3A_307] {strides = array<i32>} : memref<8x4096xf32, #tpu.memory_space<vmem>>, vector<1x16xf32>,
      %swap3A_309 = vector.shape_cast %swap3A_308 : vector<1x16xf32> to vector<16xf32>
      %swap3A_310 = vector.shape_cast %add3A_304 : vector<16xf32> to vector<1x16xf32>
      tpu.vector_store %arg8[%swap3A_306, %swap3A_307], %swap3A_310 {strides = array<i32>} : memref<8x4096xf32, #tpu.memory_space<vmem>>, vector<1x16xf32>,
      %mul3A_311 = arith.mulf %convert_element_type3A, %sub3A_129 : vector<16xf32>
      %add3A_312 = arith.addf %gather3A_118, %mul3A_311 : vector<16xf32>
      %swap3A_313 = arith.constant 3 : i32
      %swap3A_314 = arith.index_cast %swap3A_313 : i32 to index
      %swap3A_315 = arith.index_cast %add3A_282 : i32 to index
      %swap3A_316 = tpu.vector_load %arg8[%swap3A_314, %swap3A_315] {strides = array<i32>} : memref<8x4096xf32, #tpu.memory_space<vmem>>, vector<1x16xf32>,
      %swap3A_317 = vector.shape_cast %swap3A_316 : vector<1x16xf32> to vector<16xf32>
      %swap3A_318 = vector.shape_cast %add3A_312 : vector<16xf32> to vector<1x16xf32>
      tpu.vector_store %arg8[%swap3A_314, %swap3A_315], %swap3A_318 {strides = array<i32>} : memref<8x4096xf32, #tpu.memory_space<vmem>>, vector<1x16xf32>,
      %mul3A_319 = arith.mulf %convert_element_type3A, %sub3A_158 : vector<16xf32>
      %add3A_320 = arith.addf %gather3A_147, %mul3A_319 : vector<16xf32>
      %swap3A_321 = arith.constant 4 : i32
      %swap3A_322 = arith.index_cast %swap3A_321 : i32 to index
      %swap3A_323 = arith.index_cast %add3A_282 : i32 to index
      %swap3A_324 = tpu.vector_load %arg8[%swap3A_322, %swap3A_323] {strides = array<i32>} : memref<8x4096xf32, #tpu.memory_space<vmem>>, vector<1x16xf32>,
      %swap3A_325 = vector.shape_cast %swap3A_324 : vector<1x16xf32> to vector<16xf32>
      %swap3A_326 = vector.shape_cast %add3A_320 : vector<16xf32> to vector<1x16xf32>
      tpu.vector_store %arg8[%swap3A_322, %swap3A_323], %swap3A_326 {strides = array<i32>} : memref<8x4096xf32, #tpu.memory_space<vmem>>, vector<1x16xf32>,
      %mul3A_327 = arith.mulf %convert_element_type3A, %sub3A_187 : vector<16xf32>
      %add3A_328 = arith.addf %gather3A_176, %mul3A_327 : vector<16xf32>
      %swap3A_329 = arith.constant 5 : i32
      %swap3A_330 = arith.index_cast %swap3A_329 : i32 to index
      %swap3A_331 = arith.index_cast %add3A_282 : i32 to index
      %swap3A_332 = tpu.vector_load %arg8[%swap3A_330, %swap3A_331] {strides = array<i32>} : memref<8x4096xf32, #tpu.memory_space<vmem>>, vector<1x16xf32>,
      %swap3A_333 = vector.shape_cast %swap3A_332 : vector<1x16xf32> to vector<16xf32>
      %swap3A_334 = vector.shape_cast %add3A_328 : vector<16xf32> to vector<1x16xf32>
      tpu.vector_store %arg8[%swap3A_330, %swap3A_331], %swap3A_334 {strides = array<i32>} : memref<8x4096xf32, #tpu.memory_space<vmem>>, vector<1x16xf32>,
      %mul3A_335 = arith.mulf %convert_element_type3A, %sub3A_216 : vector<16xf32>
      %add3A_336 = arith.addf %gather3A_205, %mul3A_335 : vector<16xf32>
      %swap3A_337 = arith.constant 6 : i32
      %swap3A_338 = arith.index_cast %swap3A_337 : i32 to index
      %swap3A_339 = arith.index_cast %add3A_282 : i32 to index
      %swap3A_340 = tpu.vector_load %arg8[%swap3A_338, %swap3A_339] {strides = array<i32>} : memref<8x4096xf32, #tpu.memory_space<vmem>>, vector<1x16xf32>,
      %swap3A_341 = vector.shape_cast %swap3A_340 : vector<1x16xf32> to vector<16xf32>
      %swap3A_342 = vector.shape_cast %add3A_336 : vector<16xf32> to vector<1x16xf32>
      tpu.vector_store %arg8[%swap3A_338, %swap3A_339], %swap3A_342 {strides = array<i32>} : memref<8x4096xf32, #tpu.memory_space<vmem>>, vector<1x16xf32>,
      %mul3A_343 = arith.mulf %convert_element_type3A, %sub3A_245 : vector<16xf32>
      %add3A_344 = arith.addf %gather3A_234, %mul3A_343 : vector<16xf32>
      %swap3A_345 = arith.constant 7 : i32
      %swap3A_346 = arith.index_cast %swap3A_345 : i32 to index
      %swap3A_347 = arith.index_cast %add3A_282 : i32 to index
      %swap3A_348 = tpu.vector_load %arg8[%swap3A_346, %swap3A_347] {strides = array<i32>} : memref<8x4096xf32, #tpu.memory_space<vmem>>, vector<1x16xf32>,
      %swap3A_349 = vector.shape_cast %swap3A_348 : vector<1x16xf32> to vector<16xf32>
      %swap3A_350 = vector.shape_cast %add3A_344 : vector<16xf32> to vector<1x16xf32>
      tpu.vector_store %arg8[%swap3A_346, %swap3A_347], %swap3A_350 {strides = array<i32>} : memref<8x4096xf32, #tpu.memory_space<vmem>>, vector<1x16xf32>,
      %mul3A_351 = arith.constant 4 : i32
      %mul3A_352 = arith.muli %scan3A_274, %mul3A_351 : i32
      %mul3A_353 = arith.constant 16 : i32
      %mul3A_354 = arith.muli %mul3A_352, %mul3A_353 : i32
      %add3A_355 = arith.constant 0 : i32
      %add3A_356 = arith.addi %add3A_355, %mul3A_354 : i32
      %add3A_357 = arith.constant 16 : i32
      %add3A_358 = arith.addi %add3A_356, %add3A_357 : i32
      %add3A_359 = arith.constant 4096 : i32
      %add3A_360 = arith.addi %add3A_359, %add3A_358 : i32
      %get3A_361 = arith.index_cast %add3A_360 : i32 to index
      %get3A_362 = tpu.vector_load %arg5[%get3A_361] {strides = array<i32>} : memref<8192xi32, #tpu.memory_space<vmem>>, vector<16xi32>,
      %get3A_363 = vector.shape_cast %get3A_362 : vector<16xi32> to vector<16xi32>
      %convert_element_type3A_364 = arith.sitofp %get3A_363 : vector<16xi32> to vector<16xf32>
      %mul3A_365 = arith.mulf %convert_element_type3A_364, %sub3A : vector<16xf32>
      %add3A_366 = arith.addf %gather3A_32, %mul3A_365 : vector<16xf32>
      %swap3A_367 = arith.constant 0 : i32
      %swap3A_368 = arith.index_cast %swap3A_367 : i32 to index
      %swap3A_369 = arith.index_cast %add3A_358 : i32 to index
      %swap3A_370 = tpu.vector_load %arg8[%swap3A_368, %swap3A_369] {strides = array<i32>} : memref<8x4096xf32, #tpu.memory_space<vmem>>, vector<1x16xf32>,
      %swap3A_371 = vector.shape_cast %swap3A_370 : vector<1x16xf32> to vector<16xf32>
      %swap3A_372 = vector.shape_cast %add3A_366 : vector<16xf32> to vector<1x16xf32>
      tpu.vector_store %arg8[%swap3A_368, %swap3A_369], %swap3A_372 {strides = array<i32>} : memref<8x4096xf32, #tpu.memory_space<vmem>>, vector<1x16xf32>,
      %mul3A_373 = arith.mulf %convert_element_type3A_364, %sub3A_71 : vector<16xf32>
      %add3A_374 = arith.addf %gather3A_60, %mul3A_373 : vector<16xf32>
      %swap3A_375 = arith.constant 1 : i32
      %swap3A_376 = arith.index_cast %swap3A_375 : i32 to index
      %swap3A_377 = arith.index_cast %add3A_358 : i32 to index
      %swap3A_378 = tpu.vector_load %arg8[%swap3A_376, %swap3A_377] {strides = array<i32>} : memref<8x4096xf32, #tpu.memory_space<vmem>>, vector<1x16xf32>,
      %swap3A_379 = vector.shape_cast %swap3A_378 : vector<1x16xf32> to vector<16xf32>
      %swap3A_380 = vector.shape_cast %add3A_374 : vector<16xf32> to vector<1x16xf32>
      tpu.vector_store %arg8[%swap3A_376, %swap3A_377], %swap3A_380 {strides = array<i32>} : memref<8x4096xf32, #tpu.memory_space<vmem>>, vector<1x16xf32>,
      %mul3A_381 = arith.mulf %convert_element_type3A_364, %sub3A_100 : vector<16xf32>
      %add3A_382 = arith.addf %gather3A_89, %mul3A_381 : vector<16xf32>
      %swap3A_383 = arith.constant 2 : i32
      %swap3A_384 = arith.index_cast %swap3A_383 : i32 to index
      %swap3A_385 = arith.index_cast %add3A_358 : i32 to index
      %swap3A_386 = tpu.vector_load %arg8[%swap3A_384, %swap3A_385] {strides = array<i32>} : memref<8x4096xf32, #tpu.memory_space<vmem>>, vector<1x16xf32>,
      %swap3A_387 = vector.shape_cast %swap3A_386 : vector<1x16xf32> to vector<16xf32>
      %swap3A_388 = vector.shape_cast %add3A_382 : vector<16xf32> to vector<1x16xf32>
      tpu.vector_store %arg8[%swap3A_384, %swap3A_385], %swap3A_388 {strides = array<i32>} : memref<8x4096xf32, #tpu.memory_space<vmem>>, vector<1x16xf32>,
      %mul3A_389 = arith.mulf %convert_element_type3A_364, %sub3A_129 : vector<16xf32>
      %add3A_390 = arith.addf %gather3A_118, %mul3A_389 : vector<16xf32>
      %swap3A_391 = arith.constant 3 : i32
      %swap3A_392 = arith.index_cast %swap3A_391 : i32 to index
      %swap3A_393 = arith.index_cast %add3A_358 : i32 to index
      %swap3A_394 = tpu.vector_load %arg8[%swap3A_392, %swap3A_393] {strides = array<i32>} : memref<8x4096xf32, #tpu.memory_space<vmem>>, vector<1x16xf32>,
      %swap3A_395 = vector.shape_cast %swap3A_394 : vector<1x16xf32> to vector<16xf32>
      %swap3A_396 = vector.shape_cast %add3A_390 : vector<16xf32> to vector<1x16xf32>
      tpu.vector_store %arg8[%swap3A_392, %swap3A_393], %swap3A_396 {strides = array<i32>} : memref<8x4096xf32, #tpu.memory_space<vmem>>, vector<1x16xf32>,
      %mul3A_397 = arith.mulf %convert_element_type3A_364, %sub3A_158 : vector<16xf32>
      %add3A_398 = arith.addf %gather3A_147, %mul3A_397 : vector<16xf32>
      %swap3A_399 = arith.constant 4 : i32
      %swap3A_400 = arith.index_cast %swap3A_399 : i32 to index
      %swap3A_401 = arith.index_cast %add3A_358 : i32 to index
      %swap3A_402 = tpu.vector_load %arg8[%swap3A_400, %swap3A_401] {strides = array<i32>} : memref<8x4096xf32, #tpu.memory_space<vmem>>, vector<1x16xf32>,
      %swap3A_403 = vector.shape_cast %swap3A_402 : vector<1x16xf32> to vector<16xf32>
      %swap3A_404 = vector.shape_cast %add3A_398 : vector<16xf32> to vector<1x16xf32>
      tpu.vector_store %arg8[%swap3A_400, %swap3A_401], %swap3A_404 {strides = array<i32>} : memref<8x4096xf32, #tpu.memory_space<vmem>>, vector<1x16xf32>,
      %mul3A_405 = arith.mulf %convert_element_type3A_364, %sub3A_187 : vector<16xf32>
      %add3A_406 = arith.addf %gather3A_176, %mul3A_405 : vector<16xf32>
      %swap3A_407 = arith.constant 5 : i32
      %swap3A_408 = arith.index_cast %swap3A_407 : i32 to index
      %swap3A_409 = arith.index_cast %add3A_358 : i32 to index
      %swap3A_410 = tpu.vector_load %arg8[%swap3A_408, %swap3A_409] {strides = array<i32>} : memref<8x4096xf32, #tpu.memory_space<vmem>>, vector<1x16xf32>,
      %swap3A_411 = vector.shape_cast %swap3A_410 : vector<1x16xf32> to vector<16xf32>
      %swap3A_412 = vector.shape_cast %add3A_406 : vector<16xf32> to vector<1x16xf32>
      tpu.vector_store %arg8[%swap3A_408, %swap3A_409], %swap3A_412 {strides = array<i32>} : memref<8x4096xf32, #tpu.memory_space<vmem>>, vector<1x16xf32>,
      %mul3A_413 = arith.mulf %convert_element_type3A_364, %sub3A_216 : vector<16xf32>
      %add3A_414 = arith.addf %gather3A_205, %mul3A_413 : vector<16xf32>
      %swap3A_415 = arith.constant 6 : i32
      %swap3A_416 = arith.index_cast %swap3A_415 : i32 to index
      %swap3A_417 = arith.index_cast %add3A_358 : i32 to index
      %swap3A_418 = tpu.vector_load %arg8[%swap3A_416, %swap3A_417] {strides = array<i32>} : memref<8x4096xf32, #tpu.memory_space<vmem>>, vector<1x16xf32>,
      %swap3A_419 = vector.shape_cast %swap3A_418 : vector<1x16xf32> to vector<16xf32>
      %swap3A_420 = vector.shape_cast %add3A_414 : vector<16xf32> to vector<1x16xf32>
      tpu.vector_store %arg8[%swap3A_416, %swap3A_417], %swap3A_420 {strides = array<i32>} : memref<8x4096xf32, #tpu.memory_space<vmem>>, vector<1x16xf32>,
      %mul3A_421 = arith.mulf %convert_element_type3A_364, %sub3A_245 : vector<16xf32>
      %add3A_422 = arith.addf %gather3A_234, %mul3A_421 : vector<16xf32>
      %swap3A_423 = arith.constant 7 : i32
      %swap3A_424 = arith.index_cast %swap3A_423 : i32 to index
      %swap3A_425 = arith.index_cast %add3A_358 : i32 to index
      %swap3A_426 = tpu.vector_load %arg8[%swap3A_424, %swap3A_425] {strides = array<i32>} : memref<8x4096xf32, #tpu.memory_space<vmem>>, vector<1x16xf32>,
      %swap3A_427 = vector.shape_cast %swap3A_426 : vector<1x16xf32> to vector<16xf32>
      %swap3A_428 = vector.shape_cast %add3A_422 : vector<16xf32> to vector<1x16xf32>
      tpu.vector_store %arg8[%swap3A_424, %swap3A_425], %swap3A_428 {strides = array<i32>} : memref<8x4096xf32, #tpu.memory_space<vmem>>, vector<1x16xf32>,
      %mul3A_429 = arith.constant 4 : i32
      %mul3A_430 = arith.muli %scan3A_274, %mul3A_429 : i32
      %mul3A_431 = arith.constant 16 : i32
      %mul3A_432 = arith.muli %mul3A_430, %mul3A_431 : i32
      %add3A_433 = arith.constant 0 : i32
      %add3A_434 = arith.addi %add3A_433, %mul3A_432 : i32
      %add3A_435 = arith.constant 32 : i32
      %add3A_436 = arith.addi %add3A_434, %add3A_435 : i32
      %add3A_437 = arith.constant 4096 : i32
      %add3A_438 = arith.addi %add3A_437, %add3A_436 : i32
      %get3A_439 = arith.index_cast %add3A_438 : i32 to index
      %get3A_440 = tpu.vector_load %arg5[%get3A_439] {strides = array<i32>} : memref<8192xi32, #tpu.memory_space<vmem>>, vector<16xi32>,
      %get3A_441 = vector.shape_cast %get3A_440 : vector<16xi32> to vector<16xi32>
      %convert_element_type3A_442 = arith.sitofp %get3A_441 : vector<16xi32> to vector<16xf32>
      %mul3A_443 = arith.mulf %convert_element_type3A_442, %sub3A : vector<16xf32>
      %add3A_444 = arith.addf %gather3A_32, %mul3A_443 : vector<16xf32>
      %swap3A_445 = arith.constant 0 : i32
      %swap3A_446 = arith.index_cast %swap3A_445 : i32 to index
      %swap3A_447 = arith.index_cast %add3A_436 : i32 to index
      %swap3A_448 = tpu.vector_load %arg8[%swap3A_446, %swap3A_447] {strides = array<i32>} : memref<8x4096xf32, #tpu.memory_space<vmem>>, vector<1x16xf32>,
      %swap3A_449 = vector.shape_cast %swap3A_448 : vector<1x16xf32> to vector<16xf32>
      %swap3A_450 = vector.shape_cast %add3A_444 : vector<16xf32> to vector<1x16xf32>
      tpu.vector_store %arg8[%swap3A_446, %swap3A_447], %swap3A_450 {strides = array<i32>} : memref<8x4096xf32, #tpu.memory_space<vmem>>, vector<1x16xf32>,
      %mul3A_451 = arith.mulf %convert_element_type3A_442, %sub3A_71 : vector<16xf32>
      %add3A_452 = arith.addf %gather3A_60, %mul3A_451 : vector<16xf32>
      %swap3A_453 = arith.constant 1 : i32
      %swap3A_454 = arith.index_cast %swap3A_453 : i32 to index
      %swap3A_455 = arith.index_cast %add3A_436 : i32 to index
      %swap3A_456 = tpu.vector_load %arg8[%swap3A_454, %swap3A_455] {strides = array<i32>} : memref<8x4096xf32, #tpu.memory_space<vmem>>, vector<1x16xf32>,
      %swap3A_457 = vector.shape_cast %swap3A_456 : vector<1x16xf32> to vector<16xf32>
      %swap3A_458 = vector.shape_cast %add3A_452 : vector<16xf32> to vector<1x16xf32>
      tpu.vector_store %arg8[%swap3A_454, %swap3A_455], %swap3A_458 {strides = array<i32>} : memref<8x4096xf32, #tpu.memory_space<vmem>>, vector<1x16xf32>,
      %mul3A_459 = arith.mulf %convert_element_type3A_442, %sub3A_100 : vector<16xf32>
      %add3A_460 = arith.addf %gather3A_89, %mul3A_459 : vector<16xf32>
      %swap3A_461 = arith.constant 2 : i32
      %swap3A_462 = arith.index_cast %swap3A_461 : i32 to index
      %swap3A_463 = arith.index_cast %add3A_436 : i32 to index
      %swap3A_464 = tpu.vector_load %arg8[%swap3A_462, %swap3A_463] {strides = array<i32>} : memref<8x4096xf32, #tpu.memory_space<vmem>>, vector<1x16xf32>,
      %swap3A_465 = vector.shape_cast %swap3A_464 : vector<1x16xf32> to vector<16xf32>
      %swap3A_466 = vector.shape_cast %add3A_460 : vector<16xf32> to vector<1x16xf32>
      tpu.vector_store %arg8[%swap3A_462, %swap3A_463], %swap3A_466 {strides = array<i32>} : memref<8x4096xf32, #tpu.memory_space<vmem>>, vector<1x16xf32>,
      %mul3A_467 = arith.mulf %convert_element_type3A_442, %sub3A_129 : vector<16xf32>
      %add3A_468 = arith.addf %gather3A_118, %mul3A_467 : vector<16xf32>
      %swap3A_469 = arith.constant 3 : i32
      %swap3A_470 = arith.index_cast %swap3A_469 : i32 to index
      %swap3A_471 = arith.index_cast %add3A_436 : i32 to index
      %swap3A_472 = tpu.vector_load %arg8[%swap3A_470, %swap3A_471] {strides = array<i32>} : memref<8x4096xf32, #tpu.memory_space<vmem>>, vector<1x16xf32>,
      %swap3A_473 = vector.shape_cast %swap3A_472 : vector<1x16xf32> to vector<16xf32>
      %swap3A_474 = vector.shape_cast %add3A_468 : vector<16xf32> to vector<1x16xf32>
      tpu.vector_store %arg8[%swap3A_470, %swap3A_471], %swap3A_474 {strides = array<i32>} : memref<8x4096xf32, #tpu.memory_space<vmem>>, vector<1x16xf32>,
      %mul3A_475 = arith.mulf %convert_element_type3A_442, %sub3A_158 : vector<16xf32>
      %add3A_476 = arith.addf %gather3A_147, %mul3A_475 : vector<16xf32>
      %swap3A_477 = arith.constant 4 : i32
      %swap3A_478 = arith.index_cast %swap3A_477 : i32 to index
      %swap3A_479 = arith.index_cast %add3A_436 : i32 to index
      %swap3A_480 = tpu.vector_load %arg8[%swap3A_478, %swap3A_479] {strides = array<i32>} : memref<8x4096xf32, #tpu.memory_space<vmem>>, vector<1x16xf32>,
      %swap3A_481 = vector.shape_cast %swap3A_480 : vector<1x16xf32> to vector<16xf32>
      %swap3A_482 = vector.shape_cast %add3A_476 : vector<16xf32> to vector<1x16xf32>
      tpu.vector_store %arg8[%swap3A_478, %swap3A_479], %swap3A_482 {strides = array<i32>} : memref<8x4096xf32, #tpu.memory_space<vmem>>, vector<1x16xf32>,
      %mul3A_483 = arith.mulf %convert_element_type3A_442, %sub3A_187 : vector<16xf32>
      %add3A_484 = arith.addf %gather3A_176, %mul3A_483 : vector<16xf32>
      %swap3A_485 = arith.constant 5 : i32
      %swap3A_486 = arith.index_cast %swap3A_485 : i32 to index
      %swap3A_487 = arith.index_cast %add3A_436 : i32 to index
      %swap3A_488 = tpu.vector_load %arg8[%swap3A_486, %swap3A_487] {strides = array<i32>} : memref<8x4096xf32, #tpu.memory_space<vmem>>, vector<1x16xf32>,
      %swap3A_489 = vector.shape_cast %swap3A_488 : vector<1x16xf32> to vector<16xf32>
      %swap3A_490 = vector.shape_cast %add3A_484 : vector<16xf32> to vector<1x16xf32>
      tpu.vector_store %arg8[%swap3A_486, %swap3A_487], %swap3A_490 {strides = array<i32>} : memref<8x4096xf32, #tpu.memory_space<vmem>>, vector<1x16xf32>,
      %mul3A_491 = arith.mulf %convert_element_type3A_442, %sub3A_216 : vector<16xf32>
      %add3A_492 = arith.addf %gather3A_205, %mul3A_491 : vector<16xf32>
      %swap3A_493 = arith.constant 6 : i32
      %swap3A_494 = arith.index_cast %swap3A_493 : i32 to index
      %swap3A_495 = arith.index_cast %add3A_436 : i32 to index
      %swap3A_496 = tpu.vector_load %arg8[%swap3A_494, %swap3A_495] {strides = array<i32>} : memref<8x4096xf32, #tpu.memory_space<vmem>>, vector<1x16xf32>,
      %swap3A_497 = vector.shape_cast %swap3A_496 : vector<1x16xf32> to vector<16xf32>
      %swap3A_498 = vector.shape_cast %add3A_492 : vector<16xf32> to vector<1x16xf32>
      tpu.vector_store %arg8[%swap3A_494, %swap3A_495], %swap3A_498 {strides = array<i32>} : memref<8x4096xf32, #tpu.memory_space<vmem>>, vector<1x16xf32>,
      %mul3A_499 = arith.mulf %convert_element_type3A_442, %sub3A_245 : vector<16xf32>
      %add3A_500 = arith.addf %gather3A_234, %mul3A_499 : vector<16xf32>
      %swap3A_501 = arith.constant 7 : i32
      %swap3A_502 = arith.index_cast %swap3A_501 : i32 to index
      %swap3A_503 = arith.index_cast %add3A_436 : i32 to index
      %swap3A_504 = tpu.vector_load %arg8[%swap3A_502, %swap3A_503] {strides = array<i32>} : memref<8x4096xf32, #tpu.memory_space<vmem>>, vector<1x16xf32>,
      %swap3A_505 = vector.shape_cast %swap3A_504 : vector<1x16xf32> to vector<16xf32>
      %swap3A_506 = vector.shape_cast %add3A_500 : vector<16xf32> to vector<1x16xf32>
      tpu.vector_store %arg8[%swap3A_502, %swap3A_503], %swap3A_506 {strides = array<i32>} : memref<8x4096xf32, #tpu.memory_space<vmem>>, vector<1x16xf32>,
      %mul3A_507 = arith.constant 4 : i32
      %mul3A_508 = arith.muli %scan3A_274, %mul3A_507 : i32
      %mul3A_509 = arith.constant 16 : i32
      %mul3A_510 = arith.muli %mul3A_508, %mul3A_509 : i32
      %add3A_511 = arith.constant 0 : i32
      %add3A_512 = arith.addi %add3A_511, %mul3A_510 : i32
      %add3A_513 = arith.constant 48 : i32
      %add3A_514 = arith.addi %add3A_512, %add3A_513 : i32
      %add3A_515 = arith.constant 4096 : i32
      %add3A_516 = arith.addi %add3A_515, %add3A_514 : i32
      %get3A_517 = arith.index_cast %add3A_516 : i32 to index
      %get3A_518 = tpu.vector_load %arg5[%get3A_517] {strides = array<i32>} : memref<8192xi32, #tpu.memory_space<vmem>>, vector<16xi32>,
      %get3A_519 = vector.shape_cast %get3A_518 : vector<16xi32> to vector<16xi32>
      %convert_element_type3A_520 = arith.sitofp %get3A_519 : vector<16xi32> to vector<16xf32>
      %mul3A_521 = arith.mulf %convert_element_type3A_520, %sub3A : vector<16xf32>
      %add3A_522 = arith.addf %gather3A_32, %mul3A_521 : vector<16xf32>
      %swap3A_523 = arith.constant 0 : i32
      %swap3A_524 = arith.index_cast %swap3A_523 : i32 to index
      %swap3A_525 = arith.index_cast %add3A_514 : i32 to index
      %swap3A_526 = tpu.vector_load %arg8[%swap3A_524, %swap3A_525] {strides = array<i32>} : memref<8x4096xf32, #tpu.memory_space<vmem>>, vector<1x16xf32>,
      %swap3A_527 = vector.shape_cast %swap3A_526 : vector<1x16xf32> to vector<16xf32>
      %swap3A_528 = vector.shape_cast %add3A_522 : vector<16xf32> to vector<1x16xf32>
      tpu.vector_store %arg8[%swap3A_524, %swap3A_525], %swap3A_528 {strides = array<i32>} : memref<8x4096xf32, #tpu.memory_space<vmem>>, vector<1x16xf32>,
      %mul3A_529 = arith.mulf %convert_element_type3A_520, %sub3A_71 : vector<16xf32>
      %add3A_530 = arith.addf %gather3A_60, %mul3A_529 : vector<16xf32>
      %swap3A_531 = arith.constant 1 : i32
      %swap3A_532 = arith.index_cast %swap3A_531 : i32 to index
      %swap3A_533 = arith.index_cast %add3A_514 : i32 to index
      %swap3A_534 = tpu.vector_load %arg8[%swap3A_532, %swap3A_533] {strides = array<i32>} : memref<8x4096xf32, #tpu.memory_space<vmem>>, vector<1x16xf32>,
      %swap3A_535 = vector.shape_cast %swap3A_534 : vector<1x16xf32> to vector<16xf32>
      %swap3A_536 = vector.shape_cast %add3A_530 : vector<16xf32> to vector<1x16xf32>
      tpu.vector_store %arg8[%swap3A_532, %swap3A_533], %swap3A_536 {strides = array<i32>} : memref<8x4096xf32, #tpu.memory_space<vmem>>, vector<1x16xf32>,
      %mul3A_537 = arith.mulf %convert_element_type3A_520, %sub3A_100 : vector<16xf32>
      %add3A_538 = arith.addf %gather3A_89, %mul3A_537 : vector<16xf32>
      %swap3A_539 = arith.constant 2 : i32
      %swap3A_540 = arith.index_cast %swap3A_539 : i32 to index
      %swap3A_541 = arith.index_cast %add3A_514 : i32 to index
      %swap3A_542 = tpu.vector_load %arg8[%swap3A_540, %swap3A_541] {strides = array<i32>} : memref<8x4096xf32, #tpu.memory_space<vmem>>, vector<1x16xf32>,
      %swap3A_543 = vector.shape_cast %swap3A_542 : vector<1x16xf32> to vector<16xf32>
      %swap3A_544 = vector.shape_cast %add3A_538 : vector<16xf32> to vector<1x16xf32>
      tpu.vector_store %arg8[%swap3A_540, %swap3A_541], %swap3A_544 {strides = array<i32>} : memref<8x4096xf32, #tpu.memory_space<vmem>>, vector<1x16xf32>,
      %mul3A_545 = arith.mulf %convert_element_type3A_520, %sub3A_129 : vector<16xf32>
      %add3A_546 = arith.addf %gather3A_118, %mul3A_545 : vector<16xf32>
      %swap3A_547 = arith.constant 3 : i32
      %swap3A_548 = arith.index_cast %swap3A_547 : i32 to index
      %swap3A_549 = arith.index_cast %add3A_514 : i32 to index
      %swap3A_550 = tpu.vector_load %arg8[%swap3A_548, %swap3A_549] {strides = array<i32>} : memref<8x4096xf32, #tpu.memory_space<vmem>>, vector<1x16xf32>,
      %swap3A_551 = vector.shape_cast %swap3A_550 : vector<1x16xf32> to vector<16xf32>
      %swap3A_552 = vector.shape_cast %add3A_546 : vector<16xf32> to vector<1x16xf32>
      tpu.vector_store %arg8[%swap3A_548, %swap3A_549], %swap3A_552 {strides = array<i32>} : memref<8x4096xf32, #tpu.memory_space<vmem>>, vector<1x16xf32>,
      %mul3A_553 = arith.mulf %convert_element_type3A_520, %sub3A_158 : vector<16xf32>
      %add3A_554 = arith.addf %gather3A_147, %mul3A_553 : vector<16xf32>
      %swap3A_555 = arith.constant 4 : i32
      %swap3A_556 = arith.index_cast %swap3A_555 : i32 to index
      %swap3A_557 = arith.index_cast %add3A_514 : i32 to index
      %swap3A_558 = tpu.vector_load %arg8[%swap3A_556, %swap3A_557] {strides = array<i32>} : memref<8x4096xf32, #tpu.memory_space<vmem>>, vector<1x16xf32>,
      %swap3A_559 = vector.shape_cast %swap3A_558 : vector<1x16xf32> to vector<16xf32>
      %swap3A_560 = vector.shape_cast %add3A_554 : vector<16xf32> to vector<1x16xf32>
      tpu.vector_store %arg8[%swap3A_556, %swap3A_557], %swap3A_560 {strides = array<i32>} : memref<8x4096xf32, #tpu.memory_space<vmem>>, vector<1x16xf32>,
      %mul3A_561 = arith.mulf %convert_element_type3A_520, %sub3A_187 : vector<16xf32>
      %add3A_562 = arith.addf %gather3A_176, %mul3A_561 : vector<16xf32>
      %swap3A_563 = arith.constant 5 : i32
      %swap3A_564 = arith.index_cast %swap3A_563 : i32 to index
      %swap3A_565 = arith.index_cast %add3A_514 : i32 to index
      %swap3A_566 = tpu.vector_load %arg8[%swap3A_564, %swap3A_565] {strides = array<i32>} : memref<8x4096xf32, #tpu.memory_space<vmem>>, vector<1x16xf32>,
      %swap3A_567 = vector.shape_cast %swap3A_566 : vector<1x16xf32> to vector<16xf32>
      %swap3A_568 = vector.shape_cast %add3A_562 : vector<16xf32> to vector<1x16xf32>
      tpu.vector_store %arg8[%swap3A_564, %swap3A_565], %swap3A_568 {strides = array<i32>} : memref<8x4096xf32, #tpu.memory_space<vmem>>, vector<1x16xf32>,
      %mul3A_569 = arith.mulf %convert_element_type3A_520, %sub3A_216 : vector<16xf32>
      %add3A_570 = arith.addf %gather3A_205, %mul3A_569 : vector<16xf32>
      %swap3A_571 = arith.constant 6 : i32
      %swap3A_572 = arith.index_cast %swap3A_571 : i32 to index
      %swap3A_573 = arith.index_cast %add3A_514 : i32 to index
      %swap3A_574 = tpu.vector_load %arg8[%swap3A_572, %swap3A_573] {strides = array<i32>} : memref<8x4096xf32, #tpu.memory_space<vmem>>, vector<1x16xf32>,
      %swap3A_575 = vector.shape_cast %swap3A_574 : vector<1x16xf32> to vector<16xf32>
      %swap3A_576 = vector.shape_cast %add3A_570 : vector<16xf32> to vector<1x16xf32>
      tpu.vector_store %arg8[%swap3A_572, %swap3A_573], %swap3A_576 {strides = array<i32>} : memref<8x4096xf32, #tpu.memory_space<vmem>>, vector<1x16xf32>,
      %mul3A_577 = arith.mulf %convert_element_type3A_520, %sub3A_245 : vector<16xf32>
      %add3A_578 = arith.addf %gather3A_234, %mul3A_577 : vector<16xf32>
      %swap3A_579 = arith.constant 7 : i32
      %swap3A_580 = arith.index_cast %swap3A_579 : i32 to index
      %swap3A_581 = arith.index_cast %add3A_514 : i32 to index
      %swap3A_582 = tpu.vector_load %arg8[%swap3A_580, %swap3A_581] {strides = array<i32>} : memref<8x4096xf32, #tpu.memory_space<vmem>>, vector<1x16xf32>,
      %swap3A_583 = vector.shape_cast %swap3A_582 : vector<1x16xf32> to vector<16xf32>
      %swap3A_584 = vector.shape_cast %add3A_578 : vector<16xf32> to vector<1x16xf32>
      tpu.vector_store %arg8[%swap3A_580, %swap3A_581], %swap3A_584 {strides = array<i32>} : memref<8x4096xf32, #tpu.memory_space<vmem>>, vector<1x16xf32>,
    }
    %scan3A_263 = arith.constant 64 : i32
    %mul3A_264 = arith.constant 8192 : i32
    %mul3A_265 = arith.muli %and3A_1, %mul3A_264 : i32
    %add3A_266 = arith.constant 4096 : i32
    %add3A_267 = arith.addi %mul3A_265, %add3A_266 : i32
    %dma_start3A_268 = tpu.memref_slice %arg4[%mul3A_248, %add3A_267] : memref<64x16384xf32, #tpu.memory_space<hbm>> -> memref<8x4096xf32, #tpu.memory_space<hbm>>
    %dma_start3A_269 = tpu.memref_slice %arg4[%mul3A_248, %add3A_267] : memref<64x16384xf32, #tpu.memory_space<hbm>> -> memref<8x4096xf32, #tpu.memory_space<hbm>>
    tpu.enqueue_dma source(%arg8 : memref<8x4096xf32, #tpu.memory_space<vmem>>) target(%dma_start3A_269 : memref<8x4096xf32, #tpu.memory_space<hbm>>) target_semaphore(%arg10 : memref<!tpu.dma_semaphore, #tpu.memory_space<semaphore_mem>>)
    %dma_wait3A_270 = tpu.memref_slice %arg4[%mul3A_248, %mul3A_255] : memref<64x16384xf32, #tpu.memory_space<hbm>> -> memref<8x4096xf32, #tpu.memory_space<hbm>>
    %dma_wait3A_271 = tpu.memref_slice %arg4[%mul3A_248, %mul3A_255] : memref<64x16384xf32, #tpu.memory_space<hbm>> -> memref<8x4096xf32, #tpu.memory_space<hbm>>
    tpu.wait_dma2 semaphore(%arg9 : memref<!tpu.dma_semaphore, #tpu.memory_space<semaphore_mem>>) src(%arg7 : memref<8x4096xf32, #tpu.memory_space<vmem>>) dst(%dma_wait3A_271 : memref<8x4096xf32, #tpu.memory_space<hbm>>)
    %dma_wait3A_272 = tpu.memref_slice %arg4[%mul3A_248, %add3A_267] : memref<64x16384xf32, #tpu.memory_space<hbm>> -> memref<8x4096xf32, #tpu.memory_space<hbm>>
    %dma_wait3A_273 = tpu.memref_slice %arg4[%mul3A_248, %add3A_267] : memref<64x16384xf32, #tpu.memory_space<hbm>> -> memref<8x4096xf32, #tpu.memory_space<hbm>>
    tpu.wait_dma2 semaphore(%arg10 : memref<!tpu.dma_semaphore, #tpu.memory_space<semaphore_mem>>) src(%arg8 : memref<8x4096xf32, #tpu.memory_space<vmem>>) dst(%dma_wait3A_273 : memref<8x4096xf32, #tpu.memory_space<hbm>>)
    return
  }
}

</mosaic_0001>

<sc_bundles>
// kernel: kernel.3.cloned.1.call-start
scs
__scs_entry_jumppad:
0x0: {  	(pc) =	sbr.rel $0x88, $3  }
0x1: {  	(tag) =	ssettag $0x0;
	lr =	simm.s32 $0x1  }
0x2: {  	[smem:$0x3F9F] =	sst lr;
	_ =	strace $0xD0000000  }
0x3: {  	_ = 	snop  }
0x4: {  	_ = 	snop  }
0x5: {  	_ = 	snop  }
0x6: {  	_ = 	snop  }
0x7: {  	_ = 	snop  }
__scs_overlays_trampoline_lowered:
0x8: {  	[smem:$0x3FAE] =	sst s0  }
0x9: {  	[smem:$0x3FAF] =	sst s1  }
0xa: {  	[smem:$0x3FB0] =	sst s2  }
0xb: {  	[smem:$0x3FB1] =	sst s3  }
0xc: {  	[smem:$0x3FB2] =	sst s4  }
0xd: {  	[smem:$0x3FB3] =	sst s5  }
0xe: {  	[smem:$0x3FB4] =	sst s6  }
0xf: {  	[smem:$0x3FB5] =	sst s7  }
0x10: {  	[smem:$0x3FB6] =	sst s8  }
0x11: {  	[smem:$0x3FB7] =	sst s9;
	s0 =	simm.s32 @!p0 $0x0  }
0x12: {  	s1 =	sld [smem:$0x3F9D];
	s0 =	simm.s32 @p0 $0x1  }
0x13: {  	[smem:$0x3FB8] =	sst s0;
	s0 =	simm.s32 @!p1 $0x0  }
0x14: {  	s2 =	sld [smem:$0x3F9C];
	s0 =	simm.s32 @p1 $0x1  }
0x15: {  	[smem:$0x3FB9] =	sst s0;
	s0 =	simm.s32 @!p2 $0x0  }
0x16: {  	s3 =	sld [smem:$0x3FDB];
	s0 =	simm.s32 @p2 $0x1  }
0x17: {  	s4 =	simm.s32 $0x1BF5;
	[smem:$0x3FBB] =	sst s0  }
0x18: {  	s0 =	sld [smem:$0x3F9E];
	_ =	swait.ge [sflag:s4], $0x0  }
0x19: {  	s7 =	sld [smem:$0x3F9F]  }
0x1a: {  	s8 =	sadd.s32 $0xFFFFE003, lr  }
0x1b: {  	s9 =	sadd.s32 $0xFFFFFEF7, lr;
	s5 =	simm.s32 $0xFFFFFFFF;
	p2 =	slt.u32 s8, $0xFFFFF086  }
0x1c: {  	p1 =	slt.u32 s9, $0xF7A;
	s5 =	simm.s32 @!p2 $0x0  }
0x1d: {  	s5 =	simm.s32 @p1 $0x1;
	p0 =	seq.s32 s7, s2  }
0x1e: {  	s7 =	smul.u32 @!p0 $0xF7A, s2;
	p2 =	seq.s32 @!p0 s5, $0x0  }
0x1f: {  	s9 =	smul.u32 $0xF7A, s1;
	s8 =	simm.s32 @!p0 $0x1BF5;
	p2 =	por !p2, p0  }
0x20: {  	[sflag:s8] =	ssyncset.s32 @!p0 $0xFFFFF086;
	s6 =	sadd.s32 @!p0 s3, s7;
	s7 =	simm.s32 @!p0 $0x108  }
0x21: {  	s3 =	sadd.s32 s3, s9;
	s6 =	sadd.s32 @!p0 $0x88, s6;
	s7 =	simm.s32 @p2 $0x1082  }
0x22: {  	[simem:s7], [sflag:s8] =	dma.local @!p0 [hbm:s6], $0xF7A  }
0x23: {  	s9 =	sor.u32 $0xD0000000, s2;
	s6 =	simm.s32 $0x108;
	_ =	swait.ge @!p0 [sflag:s8], $0x0  }
0x24: {  	s3 =	sadd.s32 $0x88, s3;
	s6 =	simm.s32 @!p1 $0x1082;
	[sflag:s4] =	ssyncset.s32 $0xFFFFF086  }
0x25: {  	[simem:s6], [sflag:s4] =	dma.local [hbm:s3], $0xF7A  }
0x26: {  	[smem:$0x3F9F] =	sst s1;
	(tag) =	ssettag s2;
	_ =	strace s9  }
0x27: {  	s1 =	sld [smem:$0x3FAF]  }
0x28: {  	s2 =	sld [smem:$0x3FB0]  }
0x29: {  	s4 =	sld [smem:$0x3FB2]  }
0x2a: {  	p0 =	seq.s32 s5, $0x0;
	s5 =	sld [smem:$0x3FB3]  }
0x2b: {  	s6 =	sld [smem:$0x3FB4]  }
0x2c: {  	s7 =	sld [smem:$0x3FB5]  }
0x2d: {  	s3 =	simm.s32 $0x108;
	s8 =	sld [smem:$0x3FB6]  }
0x2e: {  	s3 =	simm.s32 @!p0 $0x1082;
	s9 =	sld [smem:$0x3FB7]  }
0x2f: {  	lr =	sadd.s32 s0, s3;
	s0 =	sld [smem:$0x3FAE]  }
0x30: {  	s3 =	sld [smem:$0x3FB1]  }
0x31: {  	[smem:$0x3FBA] =	sst s10  }
0x32: {  	s10 =	sld [smem:$0x3FB8];
	_ =	sdelay $0x3  }
0x33: {  	p0 =	seq.s32 s10, $0x1;
	s10 =	sld [smem:$0x3FBA];
	_ =	sdelay $0x3  }
0x34: {  	[smem:$0x3FBA] =	sst s10  }
0x35: {  	s10 =	sld [smem:$0x3FB9];
	_ =	sdelay $0x3  }
0x36: {  	p1 =	seq.s32 s10, $0x1;
	s10 =	sld [smem:$0x3FBA];
	_ =	sdelay $0x3  }
0x37: {  	[smem:$0x3FBA] =	sst s10  }
0x38: {  	s10 =	sld [smem:$0x3FBB]  }
0x39: {  	_ = 	snop;
	(pc) =	sbr.ind lr, $3  }
0x3a: {  	_ = 	snop  }
0x3b: {  	_ = 	snop  }
0x3c: {  	p2 =	seq.s32 s10, $0x1;
	s10 =	sld [smem:$0x3FBA]  }
0x3d: {  	_ =	shalt  }
0x3e: {  	_ =	shalt  }
0x3f: {  	_ =	shalt  }
0x40: {  	_ =	shalt  }
0x41: {  	_ =	shalt  }
0x42: {  	_ =	shalt  }
0x43: {  	_ =	shalt  }
0x44: {  	_ =	shalt  }
0x45: {  	_ =	shalt  }
0x46: {  	_ =	shalt  }
0x47: {  	_ =	shalt  }
0x48: {  	_ =	shalt  }
0x49: {  	_ =	shalt  }
0x4a: {  	_ =	shalt  }
0x4b: {  	_ =	shalt  }
0x4c: {  	_ =	shalt  }
0x4d: {  	_ =	shalt  }
0x4e: {  	_ =	shalt  }
0x4f: {  	_ =	shalt  }
0x50: {  	_ =	shalt  }
0x51: {  	_ =	shalt  }
0x52: {  	_ =	shalt  }
0x53: {  	_ =	shalt  }
0x54: {  	_ =	shalt  }
0x55: {  	_ =	shalt  }
0x56: {  	_ =	shalt  }
0x57: {  	_ =	shalt  }
0x58: {  	_ =	shalt  }
0x59: {  	_ =	shalt  }
0x5a: {  	_ =	shalt  }
0x5b: {  	_ =	shalt  }
0x5c: {  	_ =	shalt  }
0x5d: {  	_ =	shalt  }
0x5e: {  	_ =	shalt  }
0x5f: {  	_ =	shalt  }
0x60: {  	_ =	shalt  }
0x61: {  	_ =	shalt  }
0x62: {  	_ =	shalt  }
0x63: {  	_ =	shalt  }
0x64: {  	_ =	shalt  }
0x65: {  	_ =	shalt  }
0x66: {  	_ =	shalt  }
0x67: {  	_ =	shalt  }
0x68: {  	_ =	shalt  }
0x69: {  	_ =	shalt  }
0x6a: {  	_ =	shalt  }
0x6b: {  	_ =	shalt  }
0x6c: {  	_ =	shalt  }
0x6d: {  	_ =	shalt  }
0x6e: {  	_ =	shalt  }
0x6f: {  	_ =	shalt  }
0x70: {  	_ =	shalt  }
0x71: {  	_ =	shalt  }
0x72: {  	_ =	shalt  }
0x73: {  	_ =	shalt  }
0x74: {  	_ =	shalt  }
0x75: {  	_ =	shalt  }
0x76: {  	_ =	shalt  }
0x77: {  	_ =	shalt  }
0x78: {  	_ =	shalt  }
0x79: {  	_ =	shalt  }
0x7a: {  	_ =	shalt  }
0x7b: {  	_ =	shalt  }
0x7c: {  	_ =	shalt  }
0x7d: {  	_ =	shalt  }
0x7e: {  	_ =	shalt  }
0x7f: {  	_ =	shalt  }
0x80: {  	_ =	shalt  }
0x81: {  	_ =	shalt  }
0x82: {  	_ =	shalt  }
0x83: {  	_ =	shalt  }
0x84: {  	_ =	shalt  }
0x85: {  	_ =	shalt  }
0x86: {  	_ =	shalt  }
0x87: {  	_ =	shalt  }
.Lfunc_end0:
.L_simem_size_0:
called_computation_lowered:
.L_overlay_start_0:
0x88: {  	s0 =	sld [smem:$0x3FD9]  }
0x89: {  	s1 =	sld [smem:$0x3FFE];
	_ =	sdelay $0x3  }
0x8a: {  	s0 =	sadd.s32 s1, s0  }
0x8b: {  	[smem:$0x3FC6] =	sst s0  }
0x8c: {  	_ = 	snop  }
0x8d: {  	s0 =	sld [smem:$0x3FC9]  }
0x8e: {  	s17 =	sld [smem:$0x3FC8]  }
0x8f: {  	s2 =	sld [smem:$0x3FD0];
	(tm) =	ssettm $0x1  }
0x90: {  	s3 =	sld [smem:$0x3FFB];
	_ =	sdelay $0x3  }
0x91: {  	_ =	strace s3  }
0x92: {  	s3 =	sld [smem:$0x3FFC];
	_ =	sdelay $0x3  }
0x93: {  	_ =	strace s3  }
0x94: {  	s3 =	sld [smem:$0x3FFD];
	_ =	sdelay $0x3  }
0x95: {  	_ =	strace s3  }
0x96: {  	_ =	strace $0x8FFFFFFF  }
0x97: {  	s18 =	sld [smem:$0x3FDB];
	_ =	sdelay $0x1  }
0x98: {  	s4 =	simm.s32 $_scs_section_size  }
0x99: {  	s5 =	simm.s32 $_size__tile_overlayer_lowered;
	s6 =	simm.s32 $_tile_overlayer_lowered  }
0x9a: {  	s21 =	simm.s32 $0x1BFF;
	s20 =	sshll.u32 s6, $0x1;
	s3 =	sadd.s32 s4, s18  }
0x9b: {  	s7 =	simm.s32 $0x0;
	s19 =	sshll.u32 s5, $0x1;
	s5 =	sadd.s32 s20, s3  }
0x9c: {  	[timem:s7], [sflag:s21] =	dma.local [hbm:s5], s19  }
0x9d: {  	_ =	swait.ge [sflag:s21], s19  }
0x9e: {  	s4 =	ssub.s32 $0x0, s19;
	[sflag:s21] =	ssyncset.done $0x0  }
0x9f: {  	[sflag:s21] =	ssyncadd.s32 s4;
	_ =	sdelay $0x1  }
0xa0: {  	s22 =	simm.s32 $0x1B8B  }
0xa1: {  	_ =	swait.ge [sflag:s22], $0x1  }
0xa2: {  	[sflag:s22] =	ssyncset.done $0x0  }
0xa3: {  	s23 =	simm.s32 $0x1B8E;
	[sflag:s22] =	ssyncadd.s32 $0xFFFFFFFF  }
0xa4: {  	s24 =	simm.s32 $execute0_lowered;
	[smem:$0x3FD2] =	sst s23  }
0xa5: {  	s4 =	sshll.u32 s24, $0x1;
	_ =	strace $0x80000046;
	[dreg:$0x1] =	wrdreg $0xFFFFFFFF  }
0xa6: {  	s25 =	simm.s32 $_size_execute0_lowered;
	s3 =	sadd.s32 s3, s4;
	[dreg:$0x0] =	wrdreg $0x0  }
0xa7: {  	s4 =	sshll.u32 s25, $0x1;
	[dreg:$0x2] =	wrdreg s3  }
0xa8: {  	[dreg:$0x3] =	wrdreg s4  }
0xa9: {  	[dreg:$0x4] =	wrdreg $0xC0  }
0xaa: {  	_ =	task [dreg:s7], $0x5FFFF  }
0xab: {  	[dreg:$0x1] =	wrdreg $0xFFFFFFFF  }
0xac: {  	[dreg:$0x0] =	wrdreg $0x60  }
0xad: {  	[dreg:$0x2] =	wrdreg s0  }
0xae: {  	[dreg:$0x3] =	wrdreg s17  }
0xaf: {  	[dreg:$0x4] =	wrdreg s2  }
0xb0: {  	[dreg:$0x5] =	wrdreg $0x9  }
0xb1: {  	_ =	task.clear_ibuf [dreg:s7], $0x6FFFF;
	_ =	strace $0x90000046  }
0xb2: {  	s26 =	simm.s32 $0x9;
	_ =	strace $0x80000048  }
0xb3: {  	_ =	swait.ge [sflag:s26], $0x1  }
0xb4: {  	[sflag:s26] =	ssyncadd.s32 $0xFFFFFFFF  }
0xb5: {  	_ =	strace $0x90000048  }
0xb6: {  	_ =	sfence  }
0xb7: {  	s28 =	sld [smem:$0x0];
	_ =	sdelay $0x1  }
0xb8: {  	s29 =	srdreg.scid  }
0xb9: {  	s30 =	sshll.u32 s29, $0xD;
	s31 =	sshrl.u32 s29, $0x2  }
0xba: {  	s1 =	sand.u32 $0x1, s29;
	s2 =	sand.u32 $0x4000, s30;
	s0 =	sadd.s32 s31, s28  }
0xbb: {  	s1 =	sor.u32 s2, s1;
	s0 =	sshll.u32 s0, $0x11  }
0xbc: {  	s0 =	sor.u32 s0, s1  }
0xbd: {  	s0 =	sadd.s32 $0x8F2B, s0  }
0xbe: {  	[sflag:s0] =	ssyncadd.remote.s32 $0x1  }
0xbf: {  	_ =	sfence.sel $0xFFFF  }
0xc0: {  	[dreg:$0x0] =	wrdreg $0xFFFFFFFF;
	(pc) =	sbr.abs _section_cstart, $3  }
0xc1: {  	[dreg:$0x1] =	wrdreg $0xFFFFFFFF  }
0xc2: {  	_ =	task.clear_ibuf [dreg:s7], $0x2FFFF;
	_ =	strace $0x9FFFFFFF  }
0xc3: {  	(tm) =	ssettm $0x7FFFFFFF  }
tec
execute0_lowered:
.L_overlay_start_1:
0x0: {  	(tag) =	ssettag $0x1  }
0x1: {  	s6 =	rddreg [dreg:$0x0];
	s0 =	stileid.u32  }
0x2: {  	s7 =	rddreg [dreg:$0x1];
	s3 =	sshll.u32 s0, $0xD  }
0x3: {  	s2 =	rddreg [dreg:$0x2];
	s5 =	simm.s32 $0x0;
	s4 =	sand.u32 $0x2000, s3  }
0x4: {  	[smem:$0x7FF] =	sst s5;
	s8 =	sshrl.u32 s4, $0x3  }
0x5: {  	s1 =	rddreg [dreg:$0x3];
	_ =	strace $0x80000047;
	s6 =	sadd.s32 s6, s8  }
0x6: {  	[tilespmem:s5], [sflag:$0x3] =	stream.linear.gather [hbm4b:s6+s5], $0x2000, $0x38;
	[tilespmem:$0x12100] =	vst v63  }
0x7: {  	s22 =	simm.s32 $0x2000;
	s23 =	simm.s32 $0x4  }
0x8: {  	[tilespmem:s22], [sflag:$0x4] =	stream.linear.gather [hbm4b:s7+s5], $0x100, $0x38;
	[tilespmem:$0x12100] =	vst v63  }
0x9: {  	_ =	swait.ge [sflag:s23], $0x100  }
0xa: {  	s24 =	sshll.u32 s0, $0x2;
	[sflag:s23] =	ssyncset.done $0x0  }
0xb: {  	s25 =	sand.u32 $0x30, s24;
	[sflag:s23] =	ssyncadd.s32 $0xFFFFFF00  }
0xc: {  	v9 =	vld [tilespmem:s25+$0x2000]  }
0xd: {  	v14 =	vld [tilespmem:s25+$0x2080]  }
0xe: {  	s28 =	simm.s32 $0x3;
	s26 =	sand.u32 $0x8, s24  }
0xf: {  	s29 =	sor.u32 $0x1, s26;
	s9 =	sor.u32 $0x2, s26;
	_ =	swait.ge [sflag:s28], $0x2000  }
0x10: {  	v0 =	vmov s26;
	s10 =	sor.u32 $0x3, s26;
	s30 =	sor.u32 $0x4, s26;
	v2 =	vmov s29;
	[sflag:s28] =	ssyncset.done $0x0  }
0x11: {  	s31 =	sor.u32 $0x5, s26;
	v3 =	vmov s9;
	v4 =	vmov s10;
	v11 =	vmov s30;
	[sflag:s28] =	ssyncadd.s32 $0xFFFFE000  }
0x12: {  	v12 =	vmov s31;
	s8 =	sor.u32 $0x6, s26;
	v13 =	vld [tilespmem:s5+$0x0];
	v1 =	vperm.xlane v9, v0;
	v6 =	vperm.xlane v14, v0  }
0x13: {  	v15 =	vmov s8;
	s6 =	sor.u32 $0x7, s26;
	v0 =	vperm.xlane v9, v2;
	v2 =	vperm.xlane v14, v2  }
0x14: {  	v16 =	vmov s6;
	v5 =	vperm.xlane v9, v3;
	v3 =	vperm.xlane v14, v3  }
0x15: {  	v17 =	vperm.xlane v14, v11;
	v8 =	vsub.f32 v6, v1;
	v6 =	vperm.xlane v9, v4  }
0x16: {  	v7 =	vsub.f32 v2, v0;
	v4 =	vperm.xlane v14, v4;
	v2 =	vperm.xlane v9, v11  }
0x17: {  	v10 =	vsub.f32 v3, v5;
	v3 =	vperm.xlane v9, v12;
	v18 =	vcvt.s32.f32 v13  }
0x18: {  	v13 =	vperm.xlane v14, v12;
	v11 =	vsub.f32 v4, v6;
	v4 =	vperm.xlane v9, v15  }
0x19: {  	v12 =	vsub.f32 v17, v2;
	v15 =	vperm.xlane v14, v15;
	v17 =	vmul.f32 v18, v8  }
0x1a: {  	s9 =	simm.s32 $0x1;
	s10 =	sand.u32 $0x7C00, s5;
	v9 =	vperm.xlane v9, v16;
	v20 =	vmul.f32 v18, v10  }
0x1b: {  	s6 =	sadd.s32 $0x2100, s10;
	s7 =	sand.u32 $0x40, s5;
	[dreg:$0x4] =	wrdreg s9;
	v16 =	vperm.xlane v14, v16;
	v19 =	vmul.f32 v18, v11;
	v17 =	vadd.f32 v17, v1  }
0x1c: {  	p0 =	por $0x0, $0x0;
	s11 =	sor.u32 s7, s6;
	s8 =	rddreg [dreg:$0x4];
	v13 =	vsub.f32 v13, v3;
	v21 =	vmul.f32 v18, v7;
	v20 =	vadd.f32 v20, v5  }
0x1d: {  	s8 =	simm.s32 @!p0 $0x0;
	v14 =	vsub.f32 v15, v4;
	v22 =	vmul.f32 v18, v12;
	v19 =	vadd.f32 v19, v6;
	[tilespmem:s11+$0x0] =	vst v17  }
0x1e: {  	s8 =	sshll.u32 s8, $0x6;
	v15 =	vsub.f32 v16, v9;
	v16 =	vmul.f32 v18, v13;
	v17 =	vadd.f32 v21, v0;
	[tilespmem:s11+$0x100] =	vst v20  }
0x1f: {  	s8 =	sadd.s32 $0x0, s8;
	v57 =	vadd.f32 v22, v2;
	[tilespmem:s11+$0x180] =	vst v19;
	v19 =	vmul.f32 v18, v14  }
0x20: {  	s12 =	sor.u32 $0x200, s8;
	v16 =	vadd.f32 v16, v3;
	v18 =	vmul.f32 v18, v15;
	[tilespmem:s11+$0x80] =	vst v17  }
0x21: {  	s13 =	sor.u32 $0x280, s8;
	[tilespmem:s12+$0x2100] =	vst v57;
	v17 =	vadd.f32 v19, v4  }
0x22: {  	s14 =	sor.u32 $0x300, s8;
	[tilespmem:s13+$0x2100] =	vst v16;
	v16 =	vadd.f32 v18, v9  }
0x23: {  	s16 =	sand.u32 $0xF80, s5;
	s15 =	sor.u32 $0x380, s8;
	s11 =	sor.u32 $0x10, s7;
	[tilespmem:s14+$0x2100] =	vst v17  }
0x24: {  	s17 =	sor.u32 s11, s16;
	[tilespmem:s15+$0x2100] =	vst v16  }
0x25: {  	v16 =	vld [tilespmem:s17+$0x0];
	_ =	sdelay $0x4  }
0x26: {  	v16 =	vcvt.s32.f32 v16;
	_ =	sdelay $0x1  }
0x27: {  	v17 =	vmul.f32 v16, v8  }
0x28: {  	v18 =	vmul.f32 v16, v11  }
0x29: {  	v19 =	vmul.f32 v16, v7;
	v17 =	vadd.f32 v17, v1  }
0x2a: {  	s18 =	sor.u32 s11, s6;
	v58 =	vmul.f32 v16, v10;
	v18 =	vadd.f32 v18, v6  }
0x2b: {  	v59 =	vmul.f32 v16, v12;
	v19 =	vadd.f32 v19, v0;
	[tilespmem:s18+$0x0] =	vst v17  }
0x2c: {  	v60 =	vmul.f32 v16, v13;
	v17 =	vadd.f32 v58, v5;
	[tilespmem:s18+$0x180] =	vst v18  }
0x2d: {  	s19 =	sadd.s32 $0x10, s8;
	v18 =	vmul.f32 v16, v14;
	[tilespmem:s18+$0x80] =	vst v19;
	v19 =	vadd.f32 v59, v2  }
0x2e: {  	s20 =	sor.u32 $0x200, s19;
	v16 =	vmul.f32 v16, v15;
	[tilespmem:s18+$0x100] =	vst v17;
	v17 =	vadd.f32 v60, v3  }
0x2f: {  	s21 =	sor.u32 $0x280, s19;
	v18 =	vadd.f32 v18, v4;
	[tilespmem:s20+$0x2100] =	vst v19  }
0x30: {  	s22 =	sor.u32 $0x300, s19;
	v16 =	vadd.f32 v16, v9;
	[tilespmem:s21+$0x2100] =	vst v17  }
0x31: {  	s24 =	sor.u32 $0x20, s7;
	s23 =	sor.u32 $0x380, s19;
	[tilespmem:s22+$0x2100] =	vst v18  }
0x32: {  	s25 =	sor.u32 s24, s16;
	[tilespmem:s23+$0x2100] =	vst v16  }
0x33: {  	v16 =	vld [tilespmem:s25+$0x0];
	_ =	sdelay $0x4  }
0x34: {  	v16 =	vcvt.s32.f32 v16;
	_ =	sdelay $0x1  }
0x35: {  	v17 =	vmul.f32 v16, v8  }
0x36: {  	v18 =	vmul.f32 v16, v7  }
0x37: {  	v19 =	vmul.f32 v16, v11;
	v17 =	vadd.f32 v17, v1  }
0x38: {  	s26 =	sor.u32 s24, s6;
	v61 =	vmul.f32 v16, v10;
	v18 =	vadd.f32 v18, v0  }
0x39: {  	v62 =	vmul.f32 v16, v12;
	v19 =	vadd.f32 v19, v6;
	[tilespmem:s26+$0x0] =	vst v17  }
0x3a: {  	v63 =	vmul.f32 v16, v13;
	v17 =	vadd.f32 v61, v5;
	[tilespmem:s26+$0x80] =	vst v18  }
0x3b: {  	s28 =	sadd.s32 $0x20, s8;
	v18 =	vmul.f32 v16, v14;
	[tilespmem:s26+$0x180] =	vst v19;
	v19 =	vadd.f32 v62, v2  }
0x3c: {  	s29 =	sor.u32 $0x200, s28;
	v16 =	vmul.f32 v16, v15;
	[tilespmem:s26+$0x100] =	vst v17;
	v17 =	vadd.f32 v63, v3  }
0x3d: {  	s30 =	sor.u32 $0x280, s28;
	v18 =	vadd.f32 v18, v4;
	[tilespmem:s29+$0x2100] =	vst v19  }
0x3e: {  	s31 =	sor.u32 $0x300, s28;
	v16 =	vadd.f32 v16, v9;
	[tilespmem:s30+$0x2100] =	vst v17  }
0x3f: {  	s10 =	sor.u32 $0x30, s7;
	s11 =	sor.u32 $0x380, s28;
	[tilespmem:s31+$0x2100] =	vst v18  }
0x40: {  	s7 =	sor.u32 s10, s16;
	[tilespmem:s11+$0x2100] =	vst v16  }
0x41: {  	v16 =	vld [tilespmem:s7+$0x0];
	_ =	sdelay $0x4  }
0x42: {  	s9 =	sadd.s32 $0x30, s8;
	s8 =	simm.s32 $0x0;
	s7 =	simm.s32 $0x200;
	v16 =	vcvt.s32.f32 v16  }
.LBB2_1:
0x43: {  	_ = 	snop  }
0x44: {  	v17 =	vmul.f32 v16, v8  }
0x45: {  	v20 =	vmul.f32 v16, v11  }
0x46: {  	v19 =	vmul.f32 v16, v10;
	v17 =	vadd.f32 v17, v1  }
0x47: {  	s6 =	sor.u32 s10, s6;
	v18 =	vmul.f32 v16, v7;
	v20 =	vadd.f32 v20, v6  }
0x48: {  	v21 =	vmul.f32 v16, v12;
	v19 =	vadd.f32 v19, v5;
	[tilespmem:s6+$0x0] =	vst v17  }
0x49: {  	v22 =	vmul.f32 v16, v13;
	v18 =	vadd.f32 v18, v0;
	[tilespmem:s6+$0x180] =	vst v20  }
0x4a: {  	v54 =	vadd.f32 v21, v2;
	v17 =	vmul.f32 v16, v14;
	[tilespmem:s6+$0x100] =	vst v19  }
0x4b: {  	s25 =	sor.u32 $0x200, s9;
	v16 =	vmul.f32 v16, v15;
	v19 =	vadd.f32 v22, v3;
	[tilespmem:s6+$0x80] =	vst v18  }
0x4c: {  	s26 =	sor.u32 $0x280, s9;
	[tilespmem:s25+$0x2100] =	vst v54;
	v17 =	vadd.f32 v17, v4  }
0x4d: {  	s28 =	sor.u32 $0x300, s9;
	v16 =	vadd.f32 v16, v9;
	[tilespmem:s26+$0x2100] =	vst v19  }
0x4e: {  	s29 =	sor.u32 $0x380, s9;
	[tilespmem:s28+$0x2100] =	vst v17  }
0x4f: {  	s8 =	sadd.s32 $0x40, s8;
	[tilespmem:s29+$0x2100] =	vst v16  }
0x50: {  	v16 =	vld [tilespmem:s8+$0x0];
	_ =	sdelay $0x4  }
0x51: {  	v16 =	vcvt.s32.f32 v16;
	_ =	sdelay $0x1  }
0x52: {  	s11 =	smov.u32 s7;
	v17 =	vmul.f32 v16, v8  }
0x53: {  	s5 =	sadd.s32 $0x40, s5;
	s30 =	sand.u32 $0x7C00, s11;
	v55 =	vmul.f32 v16, v11  }
0x54: {  	s31 =	sand.u32 $0x40, s5;
	s6 =	sadd.s32 $0x2100, s30;
	v19 =	vmul.f32 v16, v10;
	v17 =	vadd.f32 v17, v1  }
0x55: {  	p0 =	por !p0, !p0;
	s9 =	rddreg [dreg:$0x4];
	s12 =	sor.u32 s31, s6;
	v56 =	vmul.f32 v16, v7;
	v20 =	vadd.f32 v55, v6  }
0x56: {  	s9 =	simm.s32 @!p0 $0x0;
	v18 =	vmul.f32 v16, v12;
	v19 =	vadd.f32 v19, v5;
	[tilespmem:s12+$0x0] =	vst v17  }
0x57: {  	s9 =	sshll.u32 s9, $0x6;
	v57 =	vmul.f32 v16, v13;
	v17 =	vadd.f32 v56, v0;
	[tilespmem:s12+$0x180] =	vst v20  }
0x58: {  	s14 =	sadd.s32 s9, s11;
	v23 =	vmul.f32 v16, v14;
	v18 =	vadd.f32 v18, v2;
	[tilespmem:s12+$0x100] =	vst v19  }
0x59: {  	s9 =	sor.u32 $0x200, s14;
	v16 =	vmul.f32 v16, v15;
	[tilespmem:s12+$0x80] =	vst v17;
	v17 =	vadd.f32 v57, v3  }
0x5a: {  	s18 =	sand.u32 $0xF80, s5;
	s16 =	sor.u32 $0x280, s14;
	[tilespmem:s9+$0x2100] =	vst v18;
	v18 =	vadd.f32 v23, v4  }
0x5b: {  	s15 =	sor.u32 $0x10, s31;
	s13 =	sadd.s32 $0x10, s14;
	s17 =	sor.u32 $0x300, s14;
	v16 =	vadd.f32 v16, v9;
	[tilespmem:s16+$0x2100] =	vst v17  }
0x5c: {  	s11 =	sadd.s32 $0x20, s14;
	s9 =	sadd.s32 $0x30, s14;
	s14 =	sor.u32 $0x380, s14;
	[tilespmem:s17+$0x2100] =	vst v18  }
0x5d: {  	s19 =	sor.u32 s15, s18;
	[tilespmem:s14+$0x2100] =	vst v16  }
0x5e: {  	v16 =	vld [tilespmem:s19+$0x0];
	_ =	sdelay $0x4  }
0x5f: {  	v16 =	vcvt.s32.f32 v16;
	_ =	sdelay $0x1  }
0x60: {  	v17 =	vmul.f32 v16, v8  }
0x61: {  	v58 =	vmul.f32 v16, v11  }
0x62: {  	v18 =	vmul.f32 v16, v7;
	v17 =	vadd.f32 v17, v1  }
0x63: {  	s20 =	sor.u32 s15, s6;
	v19 =	vmul.f32 v16, v10;
	v20 =	vadd.f32 v58, v6  }
0x64: {  	v59 =	vmul.f32 v16, v12;
	v18 =	vadd.f32 v18, v0;
	[tilespmem:s20+$0x0] =	vst v17  }
0x65: {  	v60 =	vmul.f32 v16, v13;
	v19 =	vadd.f32 v19, v5;
	[tilespmem:s20+$0x180] =	vst v20  }
0x66: {  	v17 =	vmul.f32 v16, v14;
	[tilespmem:s20+$0x80] =	vst v18;
	v18 =	vadd.f32 v59, v2  }
0x67: {  	s21 =	sor.u32 $0x200, s13;
	v16 =	vmul.f32 v16, v15;
	[tilespmem:s20+$0x100] =	vst v19;
	v19 =	vadd.f32 v60, v3  }
0x68: {  	s22 =	sor.u32 $0x280, s13;
	[tilespmem:s21+$0x2100] =	vst v18;
	v17 =	vadd.f32 v17, v4  }
0x69: {  	s23 =	sor.u32 $0x300, s13;
	v16 =	vadd.f32 v16, v9;
	[tilespmem:s22+$0x2100] =	vst v19  }
0x6a: {  	s24 =	sor.u32 $0x20, s31;
	s13 =	sor.u32 $0x380, s13;
	[tilespmem:s23+$0x2100] =	vst v17  }
0x6b: {  	s25 =	sor.u32 s24, s18;
	[tilespmem:s13+$0x2100] =	vst v16  }
0x6c: {  	v16 =	vld [tilespmem:s25+$0x0];
	_ =	sdelay $0x4  }
0x6d: {  	v16 =	vcvt.s32.f32 v16;
	_ =	sdelay $0x1  }
0x6e: {  	v17 =	vmul.f32 v16, v8  }
0x6f: {  	v18 =	vmul.f32 v16, v7  }
0x70: {  	v61 =	vmul.f32 v16, v11;
	v17 =	vadd.f32 v17, v1  }
0x71: {  	s26 =	sor.u32 s24, s6;
	v19 =	vmul.f32 v16, v10;
	v18 =	vadd.f32 v18, v0  }
0x72: {  	v62 =	vmul.f32 v16, v12;
	v20 =	vadd.f32 v61, v6;
	[tilespmem:s26+$0x0] =	vst v17  }
0x73: {  	v63 =	vmul.f32 v16, v13;
	v19 =	vadd.f32 v19, v5;
	[tilespmem:s26+$0x80] =	vst v18  }
0x74: {  	v17 =	vmul.f32 v16, v14;
	[tilespmem:s26+$0x180] =	vst v20;
	v18 =	vadd.f32 v62, v2  }
0x75: {  	s28 =	sor.u32 $0x200, s11;
	v16 =	vmul.f32 v16, v15;
	[tilespmem:s26+$0x100] =	vst v19;
	v19 =	vadd.f32 v63, v3  }
0x76: {  	s29 =	sor.u32 $0x280, s11;
	[tilespmem:s28+$0x2100] =	vst v18;
	v17 =	vadd.f32 v17, v4  }
0x77: {  	s30 =	sor.u32 $0x300, s11;
	v16 =	vadd.f32 v16, v9;
	[tilespmem:s29+$0x2100] =	vst v19  }
0x78: {  	s10 =	sor.u32 $0x30, s31;
	s11 =	sor.u32 $0x380, s11;
	[tilespmem:s30+$0x2100] =	vst v17  }
0x79: {  	s31 =	sor.u32 s10, s18;
	[tilespmem:s11+$0x2100] =	vst v16  }
0x7a: {  	p1 =	sne.s32 s7, $0x7E00;
	v16 =	vld [tilespmem:s31+$0x0]  }
.Ltmp0:
0x7b: {  	_ = 	snop;
	(pc) =	sbr.rel @p1 .LBB2_1-.Ltmp0, $2  }
0x7c: {  	_ =	sdelay $0x2  }
0x7d: {  	s7 =	sadd.s32 $0x200, s7;
	v16 =	vcvt.s32.f32 v16  }
0x7e: {  	_ = 	snop  }
0x7f: {  	v17 =	vmul.f32 v16, v8  }
0x80: {  	v18 =	vmul.f32 v16, v11  }
0x81: {  	v19 =	vmul.f32 v16, v10;
	v17 =	vadd.f32 v17, v1  }
0x82: {  	s5 =	sor.u32 s10, s6;
	v20 =	vmul.f32 v16, v7;
	v18 =	vadd.f32 v18, v6  }
0x83: {  	v21 =	vmul.f32 v16, v12;
	v19 =	vadd.f32 v19, v5;
	[tilespmem:s5+$0x0] =	vst v17  }
0x84: {  	v61 =	vmul.f32 v16, v13;
	v17 =	vadd.f32 v20, v0;
	[tilespmem:s5+$0x180] =	vst v18  }
0x85: {  	v21 =	vadd.f32 v21, v2;
	v18 =	vmul.f32 v16, v14;
	[tilespmem:s5+$0x100] =	vst v19  }
0x86: {  	s17 =	sor.u32 $0x200, s9;
	v16 =	vmul.f32 v16, v15;
	v19 =	vadd.f32 v61, v3;
	[tilespmem:s5+$0x80] =	vst v17  }
0x87: {  	s18 =	sor.u32 $0x280, s9;
	v17 =	vadd.f32 v18, v4;
	[tilespmem:s17+$0x2100] =	vst v21  }
0x88: {  	s19 =	sor.u32 $0x300, s9;
	s20 =	sor.u32 $0x380, s9;
	v16 =	vadd.f32 v16, v9;
	[tilespmem:s18+$0x2100] =	vst v19  }
0x89: {  	s21 =	sand.u32 $0x1C000, s3;
	s4 =	sadd.s32 s2, s4;
	s6 =	simm.s32 $0x0;
	[tilespmem:s19+$0x2100] =	vst v17  }
0x8a: {  	s22 =	simm.s32 $0x2100;
	s4 =	sadd.s32 s21, s4;
	s23 =	sand.u32 $0xFC0, s6;
	[tilespmem:s20+$0x2100] =	vst v16  }
0x8b: {  	[hbm4b:s4+s6] =	stream.linear.scatter [tilespmem:s22], [sflag:$0x1], $0x8000, $0x38;
	[tilespmem:$0x12100] =	vst v63  }
0x8c: {  	v16 =	vld [tilespmem:s23+$0x1000];
	_ =	sdelay $0x4  }
0x8d: {  	v16 =	vcvt.s32.f32 v16;
	_ =	sdelay $0x1  }
0x8e: {  	v17 =	vmul.f32 v16, v10  }
0x8f: {  	v18 =	vmul.f32 v16, v11  }
0x90: {  	s24 =	sand.u32 $0x40, s6;
	s25 =	sand.u32 $0x7C00, s6;
	v19 =	vmul.f32 v16, v8;
	v17 =	vadd.f32 v17, v5  }
0x91: {  	p0 =	por $0x0, $0x0;
	s7 =	simm.s32 $0x1;
	s4 =	sor.u32 s24, s25;
	v62 =	vmul.f32 v16, v7;
	v18 =	vadd.f32 v18, v6  }
0x92: {  	s7 =	simm.s32 @!p0 $0x0;
	v63 =	vmul.f32 v16, v12;
	v19 =	vadd.f32 v19, v1;
	[tilespmem:s4+$0xA200] =	vst v17  }
0x93: {  	s26 =	sshll.u32 s7, $0x6;
	v20 =	vadd.f32 v62, v0;
	v17 =	vmul.f32 v16, v13;
	[tilespmem:s4+$0xA280] =	vst v18  }
0x94: {  	s5 =	sadd.s32 $0x0, s26;
	v21 =	vadd.f32 v63, v2;
	v18 =	vmul.f32 v16, v14;
	[tilespmem:s4+$0xA100] =	vst v19  }
0x95: {  	s28 =	sor.u32 $0x200, s5;
	v16 =	vmul.f32 v16, v15;
	[tilespmem:s4+$0xA180] =	vst v20;
	v17 =	vadd.f32 v17, v3  }
0x96: {  	s29 =	sor.u32 $0x280, s5;
	[tilespmem:s28+$0xA100] =	vst v21;
	v18 =	vadd.f32 v18, v4  }
0x97: {  	s30 =	sor.u32 $0x300, s5;
	v16 =	vadd.f32 v16, v9;
	[tilespmem:s29+$0xA100] =	vst v17  }
0x98: {  	s31 =	sor.u32 $0x380, s5;
	[tilespmem:s30+$0xA100] =	vst v18  }
0x99: {  	s8 =	simm.s32 $0x1030;
	s9 =	simm.s32 $0x200;
	s13 =	sadd.s32 $0x10, s5;
	[tilespmem:s31+$0xA100] =	vst v16  }
0x9a: {  	s11 =	sadd.s32 $0x20, s5;
	s7 =	sadd.s32 $0x30, s5;
	s5 =	simm.s32 $0x1030;
	v16 =	vld [tilespmem:s8+$0xFFFFFFE0]  }
.LBB2_3:
0x9b: {  	p0 =	por !p0, !p0;
	s6 =	sadd.s32 $0x40, s6;
	s8 =	sadd.s32 $0x40, s8  }
0x9c: {  	p1 =	sne.s32 s9, $0x7E00;
	s10 =	smov.u32 s9;
	s9 =	sadd.s32 $0x200, s9  }
0x9d: {  	_ =	sdelay $0x1  }
0x9e: {  	v16 =	vcvt.s32.f32 v16;
	_ =	sdelay $0x1  }
0x9f: {  	v17 =	vmul.f32 v16, v8;
	v18 =	vmul.f32 v16, v7  }
0xa0: {  	v19 =	vmul.f32 v16, v10;
	v20 =	vmul.f32 v16, v11  }
0xa1: {  	v21 =	vmul.f32 v16, v15;
	v17 =	vadd.f32 v17, v1;
	v18 =	vadd.f32 v18, v0  }
0xa2: {  	v19 =	vadd.f32 v19, v5;
	v20 =	vadd.f32 v20, v6  }
0xa3: {  	v22 =	vmul.f32 v16, v14;
	[tilespmem:s4+$0xA110] =	vst v17;
	v17 =	vmul.f32 v16, v12  }
0xa4: {  	v16 =	vmul.f32 v16, v13;
	[tilespmem:s4+$0xA210] =	vst v19  }
0xa5: {  	s12 =	sand.u32 $0xFC0, s6;
	[tilespmem:s4+$0xA190] =	vst v18;
	v17 =	vadd.f32 v17, v2;
	v18 =	vadd.f32 v22, v4  }
0xa6: {  	s14 =	sor.u32 $0x200, s13;
	v16 =	vadd.f32 v16, v3;
	[tilespmem:s4+$0xA290] =	vst v20  }
0xa7: {  	[tilespmem:s14+$0xA100] =	vst v17;
	s14 =	sor.u32 $0x280, s13  }
0xa8: {  	[tilespmem:s14+$0xA100] =	vst v16;
	s14 =	sor.u32 $0x300, s13;
	v16 =	vadd.f32 v21, v9  }
0xa9: {  	s13 =	sor.u32 $0x380, s13;
	[tilespmem:s14+$0xA100] =	vst v18  }
0xaa: {  	[tilespmem:s13+$0xA100] =	vst v16  }
0xab: {  	v16 =	vld [tilespmem:s5+$0xFFFFFFF0];
	_ =	sdelay $0x4  }
0xac: {  	v16 =	vcvt.s32.f32 v16;
	_ =	sdelay $0x1  }
0xad: {  	v17 =	vmul.f32 v16, v8;
	v18 =	vmul.f32 v16, v7  }
0xae: {  	v19 =	vmul.f32 v16, v10;
	v20 =	vmul.f32 v16, v11  }
0xaf: {  	v21 =	vmul.f32 v16, v12;
	v22 =	vmul.f32 v16, v13;
	v17 =	vadd.f32 v17, v1  }
0xb0: {  	v23 =	vmul.f32 v16, v14;
	v18 =	vadd.f32 v18, v0;
	v19 =	vadd.f32 v19, v5  }
0xb1: {  	v16 =	vmul.f32 v16, v15;
	[tilespmem:s4+$0xA120] =	vst v17;
	v17 =	vadd.f32 v20, v6;
	v20 =	vadd.f32 v21, v2  }
0xb2: {  	[tilespmem:s4+$0xA1A0] =	vst v18  }
0xb3: {  	[tilespmem:s4+$0xA2A0] =	vst v17  }
0xb4: {  	s13 =	sor.u32 $0x200, s11;
	v17 =	vadd.f32 v22, v3;
	[tilespmem:s4+$0xA220] =	vst v19  }
0xb5: {  	v18 =	vadd.f32 v23, v4;
	[tilespmem:s13+$0xA100] =	vst v20;
	s13 =	sor.u32 $0x280, s11  }
0xb6: {  	v16 =	vadd.f32 v16, v9;
	[tilespmem:s13+$0xA100] =	vst v17;
	s13 =	sor.u32 $0x300, s11  }
0xb7: {  	s11 =	sor.u32 $0x380, s11;
	[tilespmem:s13+$0xA100] =	vst v18  }
0xb8: {  	[tilespmem:s11+$0xA100] =	vst v16  }
0xb9: {  	v16 =	vld [tilespmem:s5+$0x0];
	s5 =	smov.u32 s8;
	_ =	sdelay $0x4  }
0xba: {  	v16 =	vcvt.s32.f32 v16;
	_ =	sdelay $0x1  }
0xbb: {  	v17 =	vmul.f32 v16, v8;
	v18 =	vmul.f32 v16, v7  }
0xbc: {  	v19 =	vmul.f32 v16, v10;
	v20 =	vmul.f32 v16, v11  }
0xbd: {  	v21 =	vmul.f32 v16, v13;
	v22 =	vmul.f32 v16, v14;
	v17 =	vadd.f32 v17, v1  }
0xbe: {  	v23 =	vmul.f32 v16, v12;
	v18 =	vadd.f32 v18, v0;
	v19 =	vadd.f32 v19, v5  }
0xbf: {  	v16 =	vmul.f32 v16, v15;
	[tilespmem:s4+$0xA130] =	vst v17;
	v17 =	vadd.f32 v20, v6  }
0xc0: {  	[tilespmem:s4+$0xA230] =	vst v19  }
0xc1: {  	v16 =	vadd.f32 v16, v9;
	[tilespmem:s4+$0xA2B0] =	vst v17;
	v17 =	vadd.f32 v23, v2  }
0xc2: {  	s11 =	sor.u32 $0x380, s7;
	[tilespmem:s4+$0xA1B0] =	vst v18;
	s4 =	sor.u32 $0x200, s7;
	v18 =	vadd.f32 v21, v3  }
0xc3: {  	[tilespmem:s4+$0xA100] =	vst v17;
	s4 =	sor.u32 $0x280, s7;
	v17 =	vadd.f32 v22, v4  }
0xc4: {  	[tilespmem:s4+$0xA100] =	vst v18;
	s4 =	sor.u32 $0x300, s7  }
0xc5: {  	[tilespmem:s4+$0xA100] =	vst v17  }
0xc6: {  	[tilespmem:s11+$0xA100] =	vst v16  }
0xc7: {  	v16 =	vld [tilespmem:s12+$0x1000];
	_ =	sdelay $0x4  }
0xc8: {  	v16 =	vcvt.s32.f32 v16;
	_ =	sdelay $0x1  }
0xc9: {  	v17 =	vmul.f32 v16, v10;
	v18 =	vmul.f32 v16, v12  }
0xca: {  	v19 =	vmul.f32 v16, v11;
	v20 =	vmul.f32 v16, v13  }
0xcb: {  	s7 =	sand.u32 $0x7C00, s10;
	s4 =	sand.u32 $0x40, s6;
	v21 =	vmul.f32 v16, v8;
	v22 =	vmul.f32 v16, v7;
	v17 =	vadd.f32 v17, v5  }
0xcc: {  	s4 =	sor.u32 s4, s7;
	s7 =	simm.s32 $0x1;
	v23 =	vmul.f32 v16, v14;
	v19 =	vadd.f32 v19, v6;
	v20 =	vadd.f32 v20, v3  }
0xcd: {  	s7 =	simm.s32 @!p0 $0x0;
	v16 =	vmul.f32 v16, v15;
	v21 =	vadd.f32 v21, v1;
	[tilespmem:s4+$0xA200] =	vst v17;
	v17 =	vadd.f32 v18, v2  }
0xce: {  	s7 =	sshll.u32 s7, $0x6;
	v18 =	vadd.f32 v22, v0;
	[tilespmem:s4+$0xA280] =	vst v19  }
0xcf: {  	s10 =	sadd.s32 s7, s10;
	[tilespmem:s4+$0xA100] =	vst v21  }
0xd0: {  	s7 =	sor.u32 $0x200, s10;
	s13 =	sadd.s32 $0x10, s10;
	s11 =	sadd.s32 $0x20, s10;
	[tilespmem:s4+$0xA180] =	vst v18  }
.Ltmp1:
0xd1: {  	s12 =	sor.u32 $0x280, s10;
	[tilespmem:s7+$0xA100] =	vst v17;
	v17 =	vadd.f32 v23, v4;
	s7 =	sadd.s32 $0x30, s10;
	(pc) =	sbr.rel @p1 .LBB2_3-.Ltmp1, $4  }
0xd2: {  	v16 =	vadd.f32 v16, v9;
	[tilespmem:s12+$0xA100] =	vst v20;
	s12 =	sor.u32 $0x300, s10  }
0xd3: {  	s10 =	sor.u32 $0x380, s10;
	[tilespmem:s12+$0xA100] =	vst v17  }
0xd4: {  	[tilespmem:s10+$0xA100] =	vst v16  }
0xd5: {  	v16 =	vld [tilespmem:s8+$0xFFFFFFE0]  }
0xd6: {  	_ =	sdelay $0x3  }
0xd7: {  	v16 =	vcvt.s32.f32 v16;
	_ =	sdelay $0x1  }
0xd8: {  	v17 =	vmul.f32 v16, v8  }
0xd9: {  	v18 =	vmul.f32 v16, v10  }
0xda: {  	v19 =	vmul.f32 v16, v7;
	v17 =	vadd.f32 v17, v1  }
0xdb: {  	v20 =	vmul.f32 v16, v11;
	v18 =	vadd.f32 v18, v5  }
0xdc: {  	v37 =	vmul.f32 v16, v12;
	v19 =	vadd.f32 v19, v0;
	[tilespmem:s4+$0xA110] =	vst v17  }
0xdd: {  	v38 =	vmul.f32 v16, v13;
	v20 =	vadd.f32 v20, v6;
	[tilespmem:s4+$0xA210] =	vst v18  }
0xde: {  	v21 =	vmul.f32 v16, v14;
	[tilespmem:s4+$0xA190] =	vst v19;
	v17 =	vadd.f32 v37, v2  }
0xdf: {  	s6 =	sor.u32 $0x200, s13;
	v16 =	vmul.f32 v16, v15;
	[tilespmem:s4+$0xA290] =	vst v20;
	v18 =	vadd.f32 v38, v3  }
0xe0: {  	s16 =	sor.u32 $0x280, s13;
	v39 =	vadd.f32 v21, v4;
	[tilespmem:s6+$0xA100] =	vst v17  }
0xe1: {  	s17 =	sor.u32 $0x300, s13;
	v16 =	vadd.f32 v16, v9;
	[tilespmem:s16+$0xA100] =	vst v18  }
0xe2: {  	s18 =	sor.u32 $0x380, s13;
	[tilespmem:s17+$0xA100] =	vst v39  }
0xe3: {  	[tilespmem:s18+$0xA100] =	vst v16  }
0xe4: {  	v16 =	vld [tilespmem:s5+$0xFFFFFFF0];
	_ =	sdelay $0x4  }
0xe5: {  	v16 =	vcvt.s32.f32 v16;
	_ =	sdelay $0x1  }
0xe6: {  	v40 =	vmul.f32 v16, v8  }
0xe7: {  	v41 =	vmul.f32 v16, v7  }
0xe8: {  	v42 =	vmul.f32 v16, v11;
	v17 =	vadd.f32 v40, v1  }
0xe9: {  	v43 =	vmul.f32 v16, v10;
	v18 =	vadd.f32 v41, v0  }
0xea: {  	v44 =	vmul.f32 v16, v12;
	v45 =	vadd.f32 v42, v6;
	[tilespmem:s4+$0xA120] =	vst v17  }
0xeb: {  	v46 =	vmul.f32 v16, v13;
	v20 =	vadd.f32 v43, v5;
	[tilespmem:s4+$0xA1A0] =	vst v18  }
0xec: {  	v47 =	vmul.f32 v16, v14;
	v21 =	vadd.f32 v44, v2;
	[tilespmem:s4+$0xA2A0] =	vst v45  }
0xed: {  	s19 =	sor.u32 $0x200, s11;
	v16 =	vmul.f32 v16, v15;
	v48 =	vadd.f32 v46, v3;
	[tilespmem:s4+$0xA220] =	vst v20  }
0xee: {  	s20 =	sor.u32 $0x280, s11;
	v18 =	vadd.f32 v47, v4;
	[tilespmem:s19+$0xA100] =	vst v21  }
0xef: {  	s21 =	sor.u32 $0x300, s11;
	v16 =	vadd.f32 v16, v9;
	[tilespmem:s20+$0xA100] =	vst v48  }
0xf0: {  	s22 =	sor.u32 $0x380, s11;
	[tilespmem:s21+$0xA100] =	vst v18  }
0xf1: {  	[tilespmem:s22+$0xA100] =	vst v16  }
0xf2: {  	v16 =	vld [tilespmem:s5+$0x0];
	_ =	sdelay $0x4  }
0xf3: {  	v16 =	vcvt.s32.f32 v16;
	_ =	sdelay $0x1  }
0xf4: {  	v49 =	vmul.f32 v16, v8  }
0xf5: {  	v50 =	vmul.f32 v16, v10  }
0xf6: {  	v51 =	vmul.f32 v16, v11;
	v52 =	vadd.f32 v49, v1  }
0xf7: {  	v53 =	vmul.f32 v16, v7;
	v54 =	vadd.f32 v50, v5  }
0xf8: {  	v55 =	vmul.f32 v16, v12;
	v56 =	vadd.f32 v51, v6;
	[tilespmem:s4+$0xA130] =	vst v52  }
0xf9: {  	v57 =	vmul.f32 v16, v13;
	v58 =	vadd.f32 v53, v0;
	[tilespmem:s4+$0xA230] =	vst v54  }
0xfa: {  	v59 =	vmul.f32 v16, v14;
	v60 =	vadd.f32 v55, v2;
	[tilespmem:s4+$0xA2B0] =	vst v56  }
0xfb: {  	s23 =	sor.u32 $0x200, s7;
	v61 =	vmul.f32 v16, v15;
	v62 =	vadd.f32 v57, v3;
	[tilespmem:s4+$0xA1B0] =	vst v58  }
0xfc: {  	s24 =	sor.u32 $0x280, s7;
	v63 =	vadd.f32 v59, v4;
	[tilespmem:s23+$0xA100] =	vst v60  }
0xfd: {  	s25 =	sor.u32 $0x300, s7;
	v2 =	vadd.f32 v61, v9;
	[tilespmem:s24+$0xA100] =	vst v62  }
0xfe: {  	s26 =	sor.u32 $0x380, s7;
	s2 =	sadd.s32 s3, s2;
	s28 =	simm.s32 $0x0;
	[tilespmem:s25+$0xA100] =	vst v63  }
0xff: {  	s29 =	simm.s32 $0xA100;
	s30 =	simm.s32 $0x1;
	s2 =	sadd.s32 $0x1000, s2;
	[tilespmem:s26+$0xA100] =	vst v2  }
0x100: {  	[hbm4b:s2+s28] =	stream.linear.scatter [tilespmem:s29], [sflag:$0x2], $0x8000, $0x38;
	[tilespmem:$0x12100] =	vst v63  }
0x101: {  	_ =	swait.ge [sflag:s30], $0x8000  }
0x102: {  	[sflag:s30] =	ssyncset.done $0x0  }
0x103: {  	s31 =	simm.s32 $0x2;
	[sflag:s30] =	ssyncadd.s32 $0xFFFF8000  }
0x104: {  	_ =	swait.ge [sflag:s31], $0x8000  }
0x105: {  	[sflag:s31] =	ssyncset.done $0x0  }
0x106: {  	[sflag:s31] =	ssyncadd.s32 $0xFFFF8000  }
0x107: {  	_ =	sfence.sel $0x180000  }
0x108: {  	[bflag:$0x0] =	sbarrier.arrive $0xFFFF  }
0x109: {  	p0 =	sne.s32 s0, $0x0;
	_ =	strace $0x90000047  }
0x10a: {  	s0 =	sadd.s32 @!p0 $0x100000, s1;
	[bflag:$0x2] =	sbarrier.arrive $0xFFFF  }
0x10b: {  	[sflag:s0] =	ssyncadd.tile.s32 @!p0 $0x1;
	_ =	shalt  }
.Lfunc_end2:
_tile_overlayer_lowered:
.L_overlay_start_2:
0x10c: {  	(tag) =	ssettag $0x2  }
0x10d: {  	s0 =	rddreg [dreg:$0x0];
	s2 =	stileid.u32  }
0x10e: {  	s1 =	rddreg [dreg:$0x1];
	p0 =	sne.s32 s2, $0x0  }
0x10f: {  	s3 =	rddreg [dreg:$0x2];
	[bflag:$0x3] =	sbarrier.arrive $0xFFFF;
	s2 =	simm.s32 @!p0 $0x1C04  }
0x110: {  	[timem:s3], [sflag:s2] =	dma.local @!p0 [hbm:s0], s1  }
0x111: {  	s0 =	simm.s32 @!p0 $0x4  }
0x112: {  	_ =	swait.ge @!p0 [sflag:s0], s1  }
0x113: {  	s1 =	ssub.s32 @!p0 $0x0, s1;
	[sflag:s0] =	ssyncset.done @!p0 $0x0  }
0x114: {  	[sflag:s0] =	ssyncadd.s32 @!p0 s1  }
0x115: {  	[bflag:$0x3] =	sbarrier.arrive $0xFFFF  }
0x116: {  	_ =	shalt  }

</sc_bundles>
